<compile_context>
chip_gen: v7x
topology: tpu7x:2x2x1
jax: 0.10.2.dev20260603
libtpu: 0.0.44.dev20260713+nightly
codegen_flags: <defaults>
</compile_context>

<pallas_src>
import functools

import jax
import jax.numpy as jnp
from jax.experimental import pallas as pl
from jax.experimental.pallas import tpu as pltpu

_T = 36
_LQ = 3060
_C = 256
_H = 8
_L = 4
_NCP = 4
_NTP = 2
_TW = 2

_BLK = 1080


def _body(q_ref, x_ref, wq_ref, bq_ref, wv_ref, bv_ref, g_ref,
          val_ref, cso_ref, tso_ref, awc_ref, awt_ref):
    x = x_ref[:]
    val_ref[:] = (
        jnp.dot(x, wv_ref[:], preferred_element_type=jnp.float32) + bv_ref[:]
    )
    q = q_ref[:]
    p = jnp.dot(q, wq_ref[:], preferred_element_type=jnp.float32) + bq_ref[:]
    cso_ref[:] = p[:, :256]
    tso_ref[:] = p[:, 256:512]
    caw = p[:, 512:640]
    taw = p[:, 640:768]
    m = jnp.max(jnp.maximum(caw, taw), axis=1, keepdims=True)
    ea = jnp.exp(caw - m)
    eb = jnp.exp(taw - m)
    s = jnp.dot(ea + eb, g_ref[:], preferred_element_type=jnp.float32)
    r = 1.0 / s
    awc_ref[:] = ea * r
    awt_ref[:] = eb * r


@functools.partial(jax.jit)
def kernel(query, input_flatten, W_so, b_so, W_aw, b_aw, W_tso, b_tso,
           W_taw, b_taw, W_vp, b_vp):
    Tn, Lq, Cd = query.shape
    _, Lin, _ = input_flatten.shape
    n_q = Tn * Lq
    n_in = Tn * Lin

    q_flat = query.reshape(n_q, Cd)
    x_flat = input_flatten.reshape(n_in, Cd)

    wq = jnp.concatenate([W_so, W_tso, W_aw, W_taw], axis=1)
    bq = jnp.concatenate([b_so, b_tso, b_aw, b_taw])[None, :]
    bv = b_vp[None, :]
    lane = jnp.arange(128) // 16
    g = (lane[:, None] == lane[None, :]).astype(jnp.float32)

    grid = (n_q // _BLK,)
    row_spec = lambda w: pl.BlockSpec((_BLK, w), lambda i: (i, 0))
    full_spec = lambda a, b: pl.BlockSpec((a, b), lambda i: (0, 0))

    outs = pl.pallas_call(
        _body,
        grid=grid,
        in_specs=[
            row_spec(Cd),
            row_spec(Cd),
            full_spec(Cd, 768),
            full_spec(1, 768),
            full_spec(Cd, Cd),
            full_spec(1, Cd),
            full_spec(128, 128),
        ],
        out_specs=[
            row_spec(Cd),
            row_spec(Cd),
            row_spec(Cd),
            row_spec(128),
            row_spec(128),
        ],
        out_shape=[
            jax.ShapeDtypeStruct((n_in, Cd), jnp.float32),
            jax.ShapeDtypeStruct((n_q, Cd), jnp.float32),
            jax.ShapeDtypeStruct((n_q, Cd), jnp.float32),
            jax.ShapeDtypeStruct((n_q, 128), jnp.float32),
            jax.ShapeDtypeStruct((n_q, 128), jnp.float32),
        ],
        compiler_params=pltpu.CompilerParams(
            dimension_semantics=("arbitrary",),
        ),
    )(q_flat, x_flat, wq, bq, W_vp, bv, g)

    val_f, cso_f, tso_f, awc_f, awt_f = outs
    value = val_f.reshape(Tn, Lin, _H, Cd // _H)
    cso = cso_f.reshape(Tn, Lq, _H, _L, _NCP, 2)
    tso = tso_f.reshape(Tn, Lq, _H, _TW * _L, _NTP, 2)
    aw_curr = awc_f.reshape(Tn, Lq, _H, _L, _NCP)
    aw_temp = awt_f.reshape(Tn, Lq, _H, _TW * _L, _NTP)
    return (value, cso, tso, aw_curr, aw_temp)

# --- scband reference (transcript-rebuilt; emitter-appended) ---
"""Pipeline reference for scband-temporal-msdeform-attn-base-29841432773217 (READ-ONLY COPY).

The authoritative reference and input builder live on the scoring server;
editing this copy changes nothing except your own understanding.
"""

import jax, jax.numpy as jnp
import numpy as np

T = 36
LQ = 3060
LIN = 3060
C = 256
H = 8
L = 4
NCP = 4
NTP = 2
TW = 2


def setup_inputs(seed: int = 0) -> dict:
    key = jax.random.key(seed)
    ks = jax.random.split(key, 12)
    s = 0.02
    return {
        "query": jax.random.normal(ks[0], (T, LQ, C), dtype=jnp.float32),
        "input_flatten": jax.random.normal(ks[1], (T, LIN, C), dtype=jnp.float32),
        "W_so": jax.random.normal(ks[2], (C, H * L * NCP * 2), dtype=jnp.float32) * s,
        "b_so": jax.random.normal(ks[3], (H * L * NCP * 2,), dtype=jnp.float32) * s,
        "W_aw": jax.random.normal(ks[4], (C, H * L * NCP), dtype=jnp.float32) * s,
        "b_aw": jax.random.normal(ks[5], (H * L * NCP,), dtype=jnp.float32) * s,
        "W_tso": jax.random.normal(ks[6], (C, H * L * TW * NTP * 2), dtype=jnp.float32) * s,
        "b_tso": jax.random.normal(ks[7], (H * L * TW * NTP * 2,), dtype=jnp.float32) * s,
        "W_taw": jax.random.normal(ks[8], (C, H * L * TW * NTP), dtype=jnp.float32) * s,
        "b_taw": jax.random.normal(ks[9], (H * L * TW * NTP,), dtype=jnp.float32) * s,
        "W_vp": jax.random.normal(ks[10], (C, C), dtype=jnp.float32) * s,
        "b_vp": jax.random.normal(ks[11], (C,), dtype=jnp.float32) * s,
    }


def reference(query, input_flatten, W_so, b_so, W_aw, b_aw, W_tso, b_tso, W_taw, b_taw, W_vp, b_vp):
    Tn, Lq, Cd = query.shape
    _, Lin, _ = input_flatten.shape
    # value projection
    value = (input_flatten @ W_vp + b_vp).reshape(Tn, Lin, H, Cd // H)
    # temporal sampling offsets: view then flatten(3,4)
    tso = (query @ W_tso + b_tso).reshape(Tn, Lq, H, TW, L, NTP, 2)
    tso = tso.reshape(Tn, Lq, H, TW * L, NTP, 2)
    # attention weights (current + temporal) with joint softmax
    taw = (query @ W_taw + b_taw).reshape(Tn, Lq, H, TW * L * NTP)
    caw = (query @ W_aw + b_aw).reshape(Tn, Lq, H, L * NCP)
    aw = jax.nn.softmax(jnp.concatenate([caw, taw], axis=3), axis=-1)
    aw_curr = aw[..., : L * NCP].reshape(Tn, Lq, H, L, NCP)
    aw_temp = aw[..., L * NCP :].reshape(Tn, Lq, H, TW * L, NTP)
    # current-frame sampling offsets
    cso = (query @ W_so + b_so).reshape(Tn, Lq, H, L, NCP, 2)
    return (value, cso, tso, aw_curr, aw_temp)

if __name__ == "__main__":
    import jax
    _d = setup_inputs()
    print(jax.jit(kernel)(*tuple(_d.values())))

</pallas_src>

<mosaic_0001>
module attributes {stable_mosaic.version = 14 : i64} {
  func.func @_body(%arg0: i32, %arg1: memref<1080x256xf32, #tpu.memory_space<vmem>>, %arg2: memref<1080x256xf32, #tpu.memory_space<vmem>>, %arg3: memref<256x768xf32, #tpu.memory_space<vmem>>, %arg4: memref<1x768xf32, #tpu.memory_space<vmem>>, %arg5: memref<256x256xf32, #tpu.memory_space<vmem>>, %arg6: memref<1x256xf32, #tpu.memory_space<vmem>>, %arg7: memref<128x128xf32, #tpu.memory_space<vmem>>, %arg8: memref<1080x256xf32, #tpu.memory_space<vmem>>, %arg9: memref<1080x256xf32, #tpu.memory_space<vmem>>, %arg10: memref<1080x256xf32, #tpu.memory_space<vmem>>, %arg11: memref<1080x128xf32, #tpu.memory_space<vmem>>, %arg12: memref<1080x128xf32, #tpu.memory_space<vmem>>) attributes {dimension_semantics = [#tpu.dimension_semantics<arbitrary>], iteration_bounds = array<i64: 102>, scalar_prefetch = 0 : i64, scratch_operands = 0 : i64, tpu.core_type = #tpu.core_type<tc>, window_params = [{transform_indices = @transform_0, window_bounds = array<i64: 1080, 256>}, {transform_indices = @transform_1, window_bounds = array<i64: 1080, 256>}, {pipeline_mode = #tpu.pipeline_mode<synchronous>, transform_indices = @transform_2, window_bounds = array<i64: 256, 768>}, {pipeline_mode = #tpu.pipeline_mode<synchronous>, transform_indices = @transform_3, window_bounds = array<i64: 1, 768>}, {pipeline_mode = #tpu.pipeline_mode<synchronous>, transform_indices = @transform_4, window_bounds = array<i64: 256, 256>}, {pipeline_mode = #tpu.pipeline_mode<synchronous>, transform_indices = @transform_5, window_bounds = array<i64: 1, 256>}, {pipeline_mode = #tpu.pipeline_mode<synchronous>, transform_indices = @transform_6, window_bounds = array<i64: 128, 128>}, {transform_indices = @transform_7, window_bounds = array<i64: 1080, 256>}, {transform_indices = @transform_8, window_bounds = array<i64: 1080, 256>}, {transform_indices = @transform_9, window_bounds = array<i64: 1080, 256>}, {transform_indices = @transform_10, window_bounds = array<i64: 1080, 128>}, {transform_indices = @transform_11, window_bounds = array<i64: 1080, 128>}]} {
    %get3A = arith.constant 0 : index
    %get3A_0 = arith.constant 0 : index
    %get3A_1 = vector.load %arg2[%get3A, %get3A_0] : memref<1080x256xf32, #tpu.memory_space<vmem>>, vector<1080x256xf32>
    %get3A_2 = arith.constant 0 : index
    %get3A_3 = arith.constant 0 : index
    %get3A_4 = vector.load %arg5[%get3A_2, %get3A_3] : memref<256x256xf32, #tpu.memory_space<vmem>>, vector<256x256xf32>
    %dot_general3A = arith.constant dense<0.000000e+00> : vector<1080x256xf32>
    %dot_general3A_5 = tpu.matmul %get3A_1, %get3A_4, %dot_general3A {dimension_numbers = #tpu.dot_dimension_numbers<[1], [0], [0], [1], [0, 0, 1, 1], [], []>, transpose_lhs_hint = false} : vector<1080x256xf32>, vector<256x256xf32>, vector<1080x256xf32> -> vector<1080x256xf32>
    %get3A_6 = arith.constant 0 : index
    %get3A_7 = arith.constant 0 : index
    %get3A_8 = vector.load %arg6[%get3A_6, %get3A_7] : memref<1x256xf32, #tpu.memory_space<vmem>>, vector<1x256xf32>
    %add3A = vector.broadcast %get3A_8 : vector<1x256xf32> to vector<1080x256xf32>
    %add3A_9 = arith.addf %dot_general3A_5, %add3A : vector<1080x256xf32>
    %swap3A = arith.constant 0 : index
    %swap3A_10 = arith.constant 0 : index
    %swap3A_11 = vector.load %arg8[%swap3A, %swap3A_10] : memref<1080x256xf32, #tpu.memory_space<vmem>>, vector<1080x256xf32>
    tpu.vector_store %arg8[%swap3A, %swap3A_10], %add3A_9 {strides = array<i32>} : memref<1080x256xf32, #tpu.memory_space<vmem>>, vector<1080x256xf32>,
    %get3A_12 = arith.constant 0 : index
    %get3A_13 = arith.constant 0 : index
    %get3A_14 = vector.load %arg1[%get3A_12, %get3A_13] : memref<1080x256xf32, #tpu.memory_space<vmem>>, vector<1080x256xf32>
    %get3A_15 = arith.constant 0 : index
    %get3A_16 = arith.constant 0 : index
    %get3A_17 = vector.load %arg3[%get3A_15, %get3A_16] : memref<256x768xf32, #tpu.memory_space<vmem>>, vector<256x768xf32>
    %dot_general3A_18 = arith.constant dense<0.000000e+00> : vector<1080x768xf32>
    %dot_general3A_19 = tpu.matmul %get3A_14, %get3A_17, %dot_general3A_18 {dimension_numbers = #tpu.dot_dimension_numbers<[1], [0], [0], [1], [0, 0, 1, 1], [], []>, transpose_lhs_hint = false} : vector<1080x256xf32>, vector<256x768xf32>, vector<1080x768xf32> -> vector<1080x768xf32>
    %get3A_20 = arith.constant 0 : index
    %get3A_21 = arith.constant 0 : index
    %get3A_22 = vector.load %arg4[%get3A_20, %get3A_21] : memref<1x768xf32, #tpu.memory_space<vmem>>, vector<1x768xf32>
    %add3A_23 = vector.broadcast %get3A_22 : vector<1x768xf32> to vector<1080x768xf32>
    %add3A_24 = arith.addf %dot_general3A_19, %add3A_23 : vector<1080x768xf32>
    %slice3A = vector.extract_strided_slice %add3A_24 {offsets = [0, 0], sizes = [1080, 256], strides = [1, 1]} : vector<1080x768xf32> to vector<1080x256xf32>
    %swap3A_25 = arith.constant 0 : index
    %swap3A_26 = arith.constant 0 : index
    %swap3A_27 = vector.load %arg9[%swap3A_25, %swap3A_26] : memref<1080x256xf32, #tpu.memory_space<vmem>>, vector<1080x256xf32>
    tpu.vector_store %arg9[%swap3A_25, %swap3A_26], %slice3A {strides = array<i32>} : memref<1080x256xf32, #tpu.memory_space<vmem>>, vector<1080x256xf32>,
    %slice3A_28 = vector.extract_strided_slice %add3A_24 {offsets = [0, 256], sizes = [1080, 256], strides = [1, 1]} : vector<1080x768xf32> to vector<1080x256xf32>
    %swap3A_29 = arith.constant 0 : index
    %swap3A_30 = arith.constant 0 : index
    %swap3A_31 = vector.load %arg10[%swap3A_29, %swap3A_30] : memref<1080x256xf32, #tpu.memory_space<vmem>>, vector<1080x256xf32>
    tpu.vector_store %arg10[%swap3A_29, %swap3A_30], %slice3A_28 {strides = array<i32>} : memref<1080x256xf32, #tpu.memory_space<vmem>>, vector<1080x256xf32>,
    %slice3A_32 = vector.extract_strided_slice %add3A_24 {offsets = [0, 512], sizes = [1080, 128], strides = [1, 1]} : vector<1080x768xf32> to vector<1080x128xf32>
    %slice3A_33 = vector.extract_strided_slice %add3A_24 {offsets = [0, 640], sizes = [1080, 128], strides = [1, 1]} : vector<1080x768xf32> to vector<1080x128xf32>
    %max3A = arith.maximumf %slice3A_32, %slice3A_33 : vector<1080x128xf32>
    %reduce_max3A = arith.constant dense<0xFF800000> : vector<1080xf32>
    %reduce_max3A_34 = vector.multi_reduction <maximumf>, %max3A, %reduce_max3A [1] : vector<1080x128xf32> to vector<1080xf32>
    %broadcast_in_dim3A = vector.shape_cast %reduce_max3A_34 : vector<1080xf32> to vector<1080x1xf32>
    %sub3A = vector.broadcast %broadcast_in_dim3A : vector<1080x1xf32> to vector<1080x128xf32>
    %sub3A_35 = arith.subf %slice3A_32, %sub3A : vector<1080x128xf32>
    %exp3A = math.exp %sub3A_35 : vector<1080x128xf32>
    %sub3A_36 = vector.broadcast %broadcast_in_dim3A : vector<1080x1xf32> to vector<1080x128xf32>
    %sub3A_37 = arith.subf %slice3A_33, %sub3A_36 : vector<1080x128xf32>
    %exp3A_38 = math.exp %sub3A_37 : vector<1080x128xf32>
    %add3A_39 = arith.addf %exp3A, %exp3A_38 : vector<1080x128xf32>
    %get3A_40 = arith.constant 0 : index
    %get3A_41 = arith.constant 0 : index
    %get3A_42 = vector.load %arg7[%get3A_40, %get3A_41] : memref<128x128xf32, #tpu.memory_space<vmem>>, vector<128x128xf32>
    %dot_general3A_43 = arith.constant dense<0.000000e+00> : vector<1080x128xf32>
    %dot_general3A_44 = tpu.matmul %add3A_39, %get3A_42, %dot_general3A_43 {dimension_numbers = #tpu.dot_dimension_numbers<[1], [0], [0], [1], [0, 0, 1, 1], [], []>, transpose_lhs_hint = false} : vector<1080x128xf32>, vector<128x128xf32>, vector<1080x128xf32> -> vector<1080x128xf32>
    %div3A = arith.constant 1.000000e+00 : f32
    %div3A_45 = vector.broadcast %div3A : f32 to vector<1080x128xf32>
    %div3A_46 = arith.divf %div3A_45, %dot_general3A_44 : vector<1080x128xf32>
    %mul3A = arith.mulf %exp3A, %div3A_46 : vector<1080x128xf32>
    %swap3A_47 = arith.constant 0 : index
    %swap3A_48 = arith.constant 0 : index
    %swap3A_49 = vector.load %arg11[%swap3A_47, %swap3A_48] : memref<1080x128xf32, #tpu.memory_space<vmem>>, vector<1080x128xf32>
    tpu.vector_store %arg11[%swap3A_47, %swap3A_48], %mul3A {strides = array<i32>} : memref<1080x128xf32, #tpu.memory_space<vmem>>, vector<1080x128xf32>,
    %mul3A_50 = arith.mulf %exp3A_38, %div3A_46 : vector<1080x128xf32>
    %swap3A_51 = arith.constant 0 : index
    %swap3A_52 = arith.constant 0 : index
    %swap3A_53 = vector.load %arg12[%swap3A_51, %swap3A_52] : memref<1080x128xf32, #tpu.memory_space<vmem>>, vector<1080x128xf32>
    tpu.vector_store %arg12[%swap3A_51, %swap3A_52], %mul3A_50 {strides = array<i32>} : memref<1080x128xf32, #tpu.memory_space<vmem>>, vector<1080x128xf32>,
    return
  }
  func.func @transform_0(%arg0: i32) -> (i32, i32) {
    %c0_i32 = arith.constant 0 : i32
    %c0_i32_0 = arith.constant 0 : i32
    return %arg0, %c0_i32 : i32, i32
  }
  func.func @transform_1(%arg0: i32) -> (i32, i32) {
    %c0_i32 = arith.constant 0 : i32
    %c0_i32_0 = arith.constant 0 : i32
    return %arg0, %c0_i32 : i32, i32
  }
  func.func @transform_2(%arg0: i32) -> (i32, i32) {
    %c0_i32 = arith.constant 0 : i32
    %c0_i32_0 = arith.constant 0 : i32
    %c0_i32_1 = arith.constant 0 : i32
    return %c0_i32, %c0_i32_0 : i32, i32
  }
  func.func @transform_3(%arg0: i32) -> (i32, i32) {
    %c0_i32 = arith.constant 0 : i32
    %c0_i32_0 = arith.constant 0 : i32
    %c0_i32_1 = arith.constant 0 : i32
    return %c0_i32, %c0_i32_0 : i32, i32
  }
  func.func @transform_4(%arg0: i32) -> (i32, i32) {
    %c0_i32 = arith.constant 0 : i32
    %c0_i32_0 = arith.constant 0 : i32
    %c0_i32_1 = arith.constant 0 : i32
    return %c0_i32, %c0_i32_0 : i32, i32
  }
  func.func @transform_5(%arg0: i32) -> (i32, i32) {
    %c0_i32 = arith.constant 0 : i32
    %c0_i32_0 = arith.constant 0 : i32
    %c0_i32_1 = arith.constant 0 : i32
    return %c0_i32, %c0_i32_0 : i32, i32
  }
  func.func @transform_6(%arg0: i32) -> (i32, i32) {
    %c0_i32 = arith.constant 0 : i32
    %c0_i32_0 = arith.constant 0 : i32
    %c0_i32_1 = arith.constant 0 : i32
    return %c0_i32, %c0_i32_0 : i32, i32
  }
  func.func @transform_7(%arg0: i32) -> (i32, i32) {
    %c0_i32 = arith.constant 0 : i32
    %c0_i32_0 = arith.constant 0 : i32
    return %arg0, %c0_i32 : i32, i32
  }
  func.func @transform_8(%arg0: i32) -> (i32, i32) {
    %c0_i32 = arith.constant 0 : i32
    %c0_i32_0 = arith.constant 0 : i32
    return %arg0, %c0_i32 : i32, i32
  }
  func.func @transform_9(%arg0: i32) -> (i32, i32) {
    %c0_i32 = arith.constant 0 : i32
    %c0_i32_0 = arith.constant 0 : i32
    return %arg0, %c0_i32 : i32, i32
  }
  func.func @transform_10(%arg0: i32) -> (i32, i32) {
    %c0_i32 = arith.constant 0 : i32
    %c0_i32_0 = arith.constant 0 : i32
    return %arg0, %c0_i32 : i32, i32
  }
  func.func @transform_11(%arg0: i32) -> (i32, i32) {
    %c0_i32 = arith.constant 0 : i32
    %c0_i32_0 = arith.constant 0 : i32
    return %arg0, %c0_i32 : i32, i32
  }
}

</mosaic_0001>

<sc_bundles>
// kernel: sparse-core-data-format-call.1.cloned.1.call-start
scs
called_computation.1_lowered:
.L_overlay_start_0:
0x0: {  	s2 =	sld [smem:$0x3FD9]  }
0x1: {  	s3 =	sld [smem:$0x3FFE];
	_ =	sdelay $0x1  }
0x2: {  	s1 =	srdreg.scid  }
0x3: {  	s0 =	sand.u32 $0x1, s1  }
0x4: {  	s16 =	sshll.u32 s0, $0xA;
	s2 =	sadd.s32 s3, s2  }
0x5: {  	s2 =	sadd.s32 s2, s16  }
0x6: {  	[smem:$0x3FBC] =	sst s2  }
0x7: {  	_ = 	snop  }
0x8: {  	s2 =	sld [smem:$0x3FD0];
	_ =	sdelay $0x2  }
0x9: {  	s17 =	simm.s32 $0xE;
	s4 =	simm.s32 $0x10  }
0xa: {  	[smem:s4], [sflag:s17] =	dma.local [hbm:s2], $0x1  }
0xb: {  	_ =	swait.eq [sflag:s17], $0x1  }
0xc: {  	[sflag:s17] =	ssyncset.done $0x0  }
0xd: {  	[sflag:s17] =	ssyncadd.s32 $0xFFFFFFFF  }
0xe: {  	s18 =	sld [smem:$0x13];
	(tm) =	ssettm $0x1  }
0xf: {  	s19 =	sld [smem:$0x3FFB];
	_ =	sdelay $0x3  }
0x10: {  	_ =	strace s19  }
0x11: {  	s2 =	sld [smem:$0x3FFC];
	_ =	sdelay $0x3  }
0x12: {  	_ =	strace s2  }
0x13: {  	s2 =	sld [smem:$0x3FFD];
	_ =	sdelay $0x3  }
0x14: {  	_ =	strace s2  }
0x15: {  	_ =	strace $0x8FFFFFFF  }
0x16: {  	s20 =	sld [smem:$0x3FDB];
	_ =	sdelay $0x1  }
0x17: {  	s21 =	simm.s32 $_scs_section_size  }
0x18: {  	s5 =	simm.s32 $_size__tile_overlayer_lowered;
	s6 =	simm.s32 $_tile_overlayer_lowered  }
0x19: {  	s7 =	simm.s32 $0x1BFF;
	s22 =	sshll.u32 s6, $0x1;
	s4 =	sadd.s32 s21, s20  }
0x1a: {  	s23 =	simm.s32 $0x0;
	s5 =	sshll.u32 s5, $0x1;
	s6 =	sadd.s32 s22, s4  }
0x1b: {  	[timem:s23], [sflag:s7] =	dma.local [hbm:s6], s5  }
0x1c: {  	_ =	swait.ge [sflag:s7], s5  }
0x1d: {  	s5 =	ssub.s32 $0x0, s5;
	[sflag:s7] =	ssyncset.done $0x0  }
0x1e: {  	[sflag:s7] =	ssyncadd.s32 s5;
	_ =	sdelay $0x1  }
0x1f: {  	s24 =	simm.s32 $0x1B8B  }
0x20: {  	_ =	swait.ge [sflag:s24], $0x1  }
0x21: {  	[sflag:s24] =	ssyncset.done $0x0  }
0x22: {  	[sflag:s24] =	ssyncadd.s32 $0xFFFFFFFF  }
0x23: {  	s5 =	sld [smem:$0x0]  }
0x24: {  	s6 =	sand.u32 $0xFFFFFFFE, s1  }
0x25: {  	p0 =	sne.s32 s1, s6  }
0x26: {  	s6 =	sshll.u32 @p0 s6, $0xE  }
0x27: {  	s6 =	sadd.s32 @p0 $0x11B8D, s6;
	s7 =	sshll.u32 @p0 s5, $0x11  }
0x28: {  	s6 =	sor.u32 @p0 s7, s6  }
0x29: {  	[sflag:s6] =	ssyncadd.remote.s32 @p0 $0x1;
	_ =	sdelay $0x1  }
0x2a: {  	s6 =	simm.s32 @p0 $0x1B8D  }
0x2b: {  	_ =	swait.eq @p0 [sflag:s6], $0x1  }
0x2c: {  	[sflag:s6] =	ssyncadd.s32 @p0 $0xFFFFFFFF  }
0x2d: {  	s7 =	sshll.u32 @!p0 s1, $0xE  }
0x2e: {  	s7 =	sor.u32 @!p0 $0x4000, s7;
	s6 =	simm.s32 @!p0 $0x1B8D  }
0x2f: {  	s5 =	sshll.u32 @!p0 s5, $0x11;
	s7 =	sadd.s32 @!p0 $0x11B8D, s7;
	_ =	swait.eq @!p0 [sflag:s6], $0x1  }
0x30: {  	s5 =	sor.u32 @!p0 s5, s7;
	[sflag:s6] =	ssyncadd.s32 @!p0 $0xFFFFFFFF  }
0x31: {  	s26 =	simm.s32 $0x1B8E;
	s25 =	sld [smem:$0x3FFE];
	[sflag:s5] =	ssyncadd.remote.s32 @!p0 $0x1  }
0x32: {  	s27 =	simm.s32 $execute0_lowered;
	[smem:$0x3FD2] =	sst s26  }
0x33: {  	s6 =	sshll.u32 s27, $0x1;
	_ =	strace $0x80000049;
	[dreg:$0x1] =	wrdreg $0xFFFFFFFF  }
0x34: {  	s28 =	simm.s32 $_size_execute0_lowered;
	s4 =	sadd.s32 s4, s6;
	[dreg:$0x0] =	wrdreg $0x0  }
0x35: {  	s6 =	sshll.u32 s28, $0x1;
	[dreg:$0x2] =	wrdreg s4  }
0x36: {  	[dreg:$0x3] =	wrdreg s6  }
0x37: {  	[dreg:$0x4] =	wrdreg $0xC0  }
0x38: {  	_ =	task [dreg:s23], $0x5FFFF  }
0x39: {  	[dreg:$0x1] =	wrdreg $0xFFFFFFFF  }
0x3a: {  	[dreg:$0x0] =	wrdreg $0x60  }
0x3b: {  	[dreg:$0x2] =	wrdreg s25  }
0x3c: {  	[dreg:$0x3] =	wrdreg s18  }
0x3d: {  	[dreg:$0x4] =	wrdreg $0xA  }
0x3e: {  	_ =	task.clear_ibuf [dreg:s23], $0x5FFFF;
	_ =	strace $0x90000049  }
0x3f: {  	s29 =	simm.s32 $0xA;
	_ =	strace $0x8000004B  }
0x40: {  	_ =	swait.ge [sflag:s29], $0x1  }
0x41: {  	[sflag:s29] =	ssyncadd.s32 $0xFFFFFFFF  }
0x42: {  	_ =	strace $0x9000004B  }
0x43: {  	_ =	sfence  }
0x44: {  	s30 =	sld [smem:$0x0];
	_ =	sdelay $0x2  }
0x45: {  	s31 =	sshll.u32 s1, $0xD;
	s1 =	sshrl.u32 s1, $0x2  }
0x46: {  	s4 =	sand.u32 $0x4000, s31;
	s1 =	sadd.s32 s1, s30  }
0x47: {  	s0 =	sor.u32 s4, s0;
	s1 =	sshll.u32 s1, $0x11  }
0x48: {  	s0 =	sor.u32 s1, s0  }
0x49: {  	s0 =	sadd.s32 $0x8F2B, s0  }
0x4a: {  	[sflag:s0] =	ssyncadd.remote.s32 $0x1  }
0x4b: {  	_ =	sfence.sel $0xFFFF  }
0x4c: {  	[dreg:$0x0] =	wrdreg $0xFFFFFFFF;
	(pc) =	sbr.abs _section_cstart, $3  }
0x4d: {  	[dreg:$0x1] =	wrdreg $0xFFFFFFFF  }
0x4e: {  	_ =	task.clear_ibuf [dreg:s23], $0x2FFFF;
	_ =	strace $0x9FFFFFFF  }
0x4f: {  	(tm) =	ssettm $0x7FFFFFFF  }
tec
execute0_lowered:
.L_overlay_start_1:
0x0: {  	(tag) =	ssettag $0x1  }
0x1: {  	s3 =	rddreg [dreg:$0x0]  }
0x2: {  	s2 =	rddreg [dreg:$0x1]  }
0x3: {  	s0 =	rddreg [dreg:$0x2]  }
0x4: {  	_ =	strace $0x8000004A;
	s1 =	stileid.u32;
	s4 =	srdreg.scid  }
0x5: {  	s7 =	simm.s32 $0x2;
	s16 =	simm.s32 $0x0;
	p0 =	por $0x0, $0x0  }
0x6: {  	s14 =	simm.s32 $0x0;
	s18 =	simm.s32 $0x0;
	s15 =	simm.s32 $0x0  }
0x7: {  	s17 =	simm.s32 $0x0;
	s9 =	simm.s32 $0x0;
	s12 =	simm.s32 $0x0  }
.Ltmp0:
0x8: {  	s13 =	simm.s32 $0x0;
	s8 =	simm.s32 $0x0;
	(pc) =	sbr.rel .LBB1_1-.Ltmp0, $4  }
0x9: {  	s3 =	sadd.s32 $0xA49C00, s3;
	s5 =	sshll.u32 s1, $0x5;
	s6 =	sshll.u32 s4, $0x9  }
0xa: {  	s4 =	sand.u32 $0x3, s1;
	s6 =	sor.u32 s5, s6;
	s5 =	simm.s32 $0x1  }
0xb: {  	s11 =	smov.u32 s4;
	s6 =	sand.u32 $0x380, s6;
	[sflag:s5] =	ssyncpa.u1 $0x0  }
0xc: {  	[sflag:s7] =	ssyncpa.u1 $0x0;
	s7 =	simm.s32 $0x3000;
	s10 =	smov.u32 s6  }
.LBB1_9:
0xd: {  	s19 =	sadd.s32 $0x400, s10  }
0xe: {  	s14 =	sadd.s32 $0x4, s9;
	s20 =	smov.u32 s9;
	p2 =	sgt.s32 s19, $0xBF3  }
0xf: {  	s20 =	smov.u32 @p2 s14  }
0x10: {  	s21 =	smov.u32 s11;
	s14 =	sadd.s32 $0x4, s11;
	p3 =	sgt.s32 s20, $0x23  }
0x11: {  	s21 =	smov.u32 @p3 s14  }
0x12: {  	s22 =	smov.u32 s12;
	s14 =	sadd.s32 $0x4, s12;
	p4 =	sgt.s32 s21, $0x3  }
0x13: {  	p1 =	slt.u32 s8, $0x2;
	s23 =	smov.u32 s13;
	s22 =	smov.u32 @p4 s14  }
0x14: {  	s8 =	sadd.s32 $0x1, s8;
	s14 =	sadd.s32 $0x8, s13;
	p5 =	sgt.s32 s22, $0x3  }
0x15: {  	s16 =	smov.u32 s10;
	s18 =	smov.u32 s11;
	s23 =	smov.u32 @p5 s14  }
0x16: {  	s15 =	smov.u32 s12;
	s19 =	smov.u32 @p2 s6;
	p2 =	sgt.s32 s23, $0x7  }
0x17: {  	s24 =	simm.s32 @!p1 $0x2;
	s23 =	simm.s32 @p2 $0x0;
	p2 =	sne.s32 s8, $0x1D  }
.Ltmp1:
0x18: {  	s17 =	smov.u32 s13;
	_ =	swait.ge @!p1 [sflag:s24], $0x4000;
	(pc) =	sbr.rel @!p2 .LBB1_10-.Ltmp1, $4  }
0x19: {  	p0 =	por !p0, !p0;
	[sflag:s24] =	ssyncset.done @!p1 $0x0;
	s10 =	smov.u32 s19  }
0x1a: {  	s20 =	simm.s32 @p3 $0x0;
	[sflag:s24] =	ssyncadd.s32 @!p1 $0xFFFFC000;
	s21 =	smov.u32 @p4 s4  }
0x1b: {  	s11 =	smov.u32 s21;
	s22 =	simm.s32 @p5 $0x0;
	s14 =	smov.u32 s9  }
0x1c: {  	s9 =	smov.u32 s20;
	s12 =	smov.u32 s22;
	s13 =	smov.u32 s23  }
.LBB1_1:
0x1d: {  	p1 =	sgt.u32 s8, $0x1A  }
0x1e: {  	s19 =	sshrl.u32 @!p1 s9, $0x3  }
0x1f: {  	s20 =	sshll.u32 @!p1 s10, $0x3;
	s21 =	sshll.u32 @!p1 s9, $0x7;
	s19 =	smul.u32 @!p1 $0x6000, s19  }
0x20: {  	s22 =	sand.u32 @!p1 $0x7F, s10;
	s20 =	sand.u32 @!p1 $0xFFFFFC00, s20;
	s21 =	sand.u32 @!p1 $0x380, s21  }
0x21: {  	s19 =	sadd.s32 @!p1 s19, s20;
	s20 =	sor.u32 @!p1 s22, s21  }
0x22: {  	s20 =	sor.u32 @!p1 s19, s20;
	s19 =	smulhi.u32 @!p1 $0xAAAAAAAB, s19  }
0x23: {  	s24 =	smul.u32 @!p1 $0x3C000, s13  }
0x24: {  	s21 =	smulhi.u32 @!p1 $0xAAAAAAAB, s20;
	s19 =	sshrl.u32 @!p1 s19, $0xB  }
0x25: {  	s22 =	smulhi.u32 @!p1 $0x6666667, s19  }
0x26: {  	s25 =	smul.u32 @!p1 $0xF000, s12  }
0x27: {  	s23 =	sxor.u32 @!p1 $0xFFFFFFFF, s8;
	s21 =	sshrl.u32 @!p1 s21, $0xB;
	s22 =	smul.u32 @!p1 $0x28, s22  }
0x28: {  	s23 =	sshll.u32 @!p1 s23, $0xE;
	s21 =	smul.u32 @!p1 $0xC00, s21  }
0x29: {  	s24 =	sadd.s32 @!p1 s3, s24;
	s19 =	ssub.s32 @!p1 s19, s22;
	s22 =	smul.u32 @!p1 $0x3C00, s11  }
0x2a: {  	s20 =	ssub.s32 @!p1 s20, s21;
	s21 =	sadd.s32 @!p1 s25, s24;
	s19 =	smul.u32 @!p1 $0x180, s19  }
0x2b: {  	s23 =	sand.u32 @!p1 $0x4000, s23;
	s21 =	sadd.s32 @!p1 s22, s21;
	s22 =	sand.u32 @!p1 $0x7, s20  }
0x2c: {  	s20 =	sshrl.u32 @!p1 s20, $0x3;
	s19 =	sadd.s32 @!p1 s19, s21;
	s21 =	sshll.u32 @!p1 s22, $0x12  }
0x2d: {  	s19 =	sadd.s32 @!p1 s20, s19;
	s20 =	sor.u32 @!p1 $0x200, s21;
	s21 =	simm.s32 @!p1 $0x78000  }
0x2e: {  	[tilespmem:s23], [sflag:$0x1] =	stream.strided.gather @!p1 [hbm4b:s19+s20], $0x4000, s21, s20, $0x38;
	[tilespmem:$0x10000] =	vst v63  }
0x2f: {  	p1 =	seq.s32 s8, $0x0  }
0x30: {  	p2 =	seq.s32 @!p1 s8, $0x1C  }
0x31: {  	p1 =	por p1, p2  }
.Ltmp2:
0x32: {  	_ = 	snop;
	(pc) =	sbr.rel @p1 .LBB1_9-.Ltmp2, $1  }
0x33: {  	_ =	sdelay $0x3  }
0x34: {  	s19 =	simm.s32 $0x1;
	_ =	swait.ge [sflag:s5], $0x4000;
	s22 =	sshll.u32 s8, $0xE  }
0x35: {  	s19 =	simm.s32 @!p0 $0x0;
	[sflag:s5] =	ssyncset.done $0x0;
	s31 =	sand.u32 $0x4000, s22  }
0x36: {  	s22 =	simm.s32 $0x0;
	s19 =	sshll.u32 s19, $0xE;
	[sflag:s5] =	ssyncadd.s32 $0xFFFFC000  }
0x37: {  	s20 =	sor.u32 $0x8040, s19;
	s21 =	sor.u32 $0x40, s19;
	s19 =	sor.u32 $0x8000, s31  }
.LBB1_3:
0x38: {  	s23 =	smov.u32 s21;
	s24 =	smov.u32 s20;
	s25 =	simm.s32 $0x0  }
.LBB1_4:
0x39: {  	v0 =	vmov s23;
	_ =	sdelay $0x3  }
0x3a: {  	s27 =	simm.s32 $0x0  }
0x3b: {  	v6 =	vld.idx.msk [tilespmem:v0+s27+$0x30 ss:$0x1], $0xffff  }
0x3c: {  	v7 =	vld.idx.msk [tilespmem:v0+s27+$0xFFFFFFC0 ss:$0x1], $0xffff  }
0x3d: {  	v5 =	vld.idx.msk [tilespmem:v0+s27+$0xFFFFFFD0 ss:$0x1], $0xffff  }
0x3e: {  	v4 =	vld.idx.msk [tilespmem:v0+s27+$0xFFFFFFE0 ss:$0x1], $0xffff  }
0x3f: {  	v3 =	vld.idx.msk [tilespmem:v0+s27+$0xFFFFFFF0 ss:$0x1], $0xffff  }
0x40: {  	v1 =	vld.idx.msk [tilespmem:v0+s27+$0x0 ss:$0x1], $0xffff  }
0x41: {  	v2 =	vld.idx.msk [tilespmem:v0+s27+$0x10 ss:$0x1], $0xffff;
	[tilespmem:s24+$0x30] =	vst v6  }
0x42: {  	s26 =	simm.s32 $0x80;
	s28 =	simm.s32 $0x400;
	[tilespmem:s24+$0xFFFFFFC0] =	vst v7;
	v6 =	vld.idx.msk [tilespmem:v0+s27+$0x20 ss:$0x1], $0xffff;
	s27 =	smov.u32 s24  }
.LBB1_5:
0x43: {  	p1 =	sne.s32 s28, $0x600;
	v7 =	vld.idx.msk [tilespmem:v0+s26+$0x30 ss:$0x1], $0xffff;
	[tilespmem:s27+$0xFFFFFFD0] =	vst v5  }
0x44: {  	v8 =	vld.idx.msk [tilespmem:v0+s26+$0xFFFFFFC0 ss:$0x1], $0xffff;
	[tilespmem:s27+$0xFFFFFFE0] =	vst v4  }
0x45: {  	v5 =	vld.idx.msk [tilespmem:v0+s26+$0xFFFFFFD0 ss:$0x1], $0xffff;
	[tilespmem:s27+$0xFFFFFFF0] =	vst v3  }
.Ltmp3:
0x46: {  	v4 =	vld.idx.msk [tilespmem:v0+s26+$0xFFFFFFE0 ss:$0x1], $0xffff;
	[tilespmem:s27+$0x0] =	vst v1;
	(pc) =	sbr.rel @p1 .LBB1_5-.Ltmp3, $4  }
0x47: {  	v3 =	vld.idx.msk [tilespmem:v0+s26+$0xFFFFFFF0 ss:$0x1], $0xffff;
	[tilespmem:s27+$0x10] =	vst v2  }
0x48: {  	v1 =	vld.idx.msk [tilespmem:v0+s26+$0x0 ss:$0x1], $0xffff;
	[tilespmem:s27+$0x20] =	vst v6;
	s27 =	sadd.s32 $0x1000, s27  }
0x49: {  	v2 =	vld.idx.msk [tilespmem:v0+s26+$0x10 ss:$0x1], $0xffff;
	[tilespmem:s27+$0x30] =	vst v7  }
0x4a: {  	[tilespmem:s27+$0xFFFFFFC0] =	vst v8;
	v6 =	vld.idx.msk [tilespmem:v0+s26+$0x20 ss:$0x1], $0xffff;
	s26 =	sshra.s32 s28, $0x2;
	s28 =	sadd.s32 $0x200, s28  }
0x4b: {  	_ =	sdelay $0x2  }
0x4c: {  	[tilespmem:s27+$0xFFFFFFD0] =	vst v5  }
0x4d: {  	v56 =	vld.idx.msk [tilespmem:v0+s26+$0x30 ss:$0x1], $0xffff;
	[tilespmem:s27+$0xFFFFFFE0] =	vst v4  }
0x4e: {  	v57 =	vld.idx.msk [tilespmem:v0+s26+$0xFFFFFFC0 ss:$0x1], $0xffff;
	[tilespmem:s27+$0xFFFFFFF0] =	vst v3  }
0x4f: {  	v58 =	vld.idx.msk [tilespmem:v0+s26+$0xFFFFFFD0 ss:$0x1], $0xffff;
	[tilespmem:s27+$0x0] =	vst v1  }
0x50: {  	v59 =	vld.idx.msk [tilespmem:v0+s26+$0xFFFFFFE0 ss:$0x1], $0xffff;
	[tilespmem:s27+$0x10] =	vst v2  }
0x51: {  	v60 =	vld.idx.msk [tilespmem:v0+s26+$0xFFFFFFF0 ss:$0x1], $0xffff;
	s31 =	sadd.s32 $0x1000, s27;
	[tilespmem:s27+$0x20] =	vst v6  }
0x52: {  	v61 =	vld.idx.msk [tilespmem:v0+s26+$0x0 ss:$0x1], $0xffff;
	[tilespmem:s31+$0x30] =	vst v56  }
0x53: {  	v62 =	vld.idx.msk [tilespmem:v0+s26+$0x10 ss:$0x1], $0xffff;
	s25 =	sadd.s32 $0x1, s25;
	[tilespmem:s31+$0xFFFFFFC0] =	vst v57  }
0x54: {  	v63 =	vld.idx.msk [tilespmem:v0+s26+$0x20 ss:$0x1], $0xffff;
	p1 =	sne.s32 s25, $0x4;
	[tilespmem:s31+$0xFFFFFFD0] =	vst v58  }
.Ltmp4:
0x55: {  	[tilespmem:s31+$0xFFFFFFE0] =	vst v59;
	(pc) =	sbr.rel @p1 .LBB1_4-.Ltmp4, $4  }
0x56: {  	[tilespmem:s31+$0xFFFFFFF0] =	vst v60  }
0x57: {  	[tilespmem:s31+$0x0] =	vst v61  }
0x58: {  	[tilespmem:s31+$0x10] =	vst v62  }
0x59: {  	s24 =	sadd.s32 $0x80, s24;
	s23 =	sadd.s32 $0x200, s23;
	[tilespmem:s31+$0x20] =	vst v63  }
0x5a: {  	s22 =	sadd.s32 $0x1, s22  }
0x5b: {  	p1 =	sne.s32 s22, $0x8  }
.Ltmp5:
0x5c: {  	_ = 	snop;
	(pc) =	sbr.rel @p1 .LBB1_3-.Ltmp5, $2  }
0x5d: {  	_ =	sdelay $0x2  }
0x5e: {  	s20 =	sadd.s32 $0x200, s20;
	s21 =	sadd.s32 $0x800, s21  }
0x5f: {  	s20 =	sshrl.u32 s18, $0x2  }
0x60: {  	s21 =	sshll.u32 s16, $0x2;
	s27 =	sshll.u32 s18, $0x7;
	s20 =	smul.u32 $0x3000, s20  }
0x61: {  	s28 =	sand.u32 $0x7F, s16;
	s21 =	sand.u32 $0xFFFFFE00, s21;
	s18 =	sand.u32 $0x180, s27  }
0x62: {  	s17 =	smul.u32 $0x1800, s17;
	s16 =	sor.u32 s18, s28;
	s20 =	sadd.s32 s20, s21  }
0x63: {  	s16 =	sor.u32 s20, s16;
	s20 =	smulhi.u32 $0xAAAAAAAB, s20  }
0x64: {  	s29 =	smulhi.u32 $0xAAAAAAAB, s16  }
0x65: {  	s15 =	smul.u32 $0x600, s15  }
0x66: {  	s14 =	smul.u32 $0xC000, s14;
	s20 =	sshrl.u32 s20, $0xB;
	s18 =	sshrl.u32 s29, $0xB  }
0x67: {  	s20 =	sand.u32 $0x3, s20;
	s18 =	smul.u32 $0xC00, s18  }
0x68: {  	s17 =	sadd.s32 s2, s17;
	s30 =	smul.u32 $0x180, s20  }
.Ltmp6:
0x69: {  	s15 =	sadd.s32 s15, s17;
	s16 =	ssub.s32 s16, s18;
	(pc) =	sbr.rel .LBB1_9-.Ltmp6, $4  }
0x6a: {  	s14 =	sadd.s32 s14, s15;
	s31 =	sand.u32 $0x7, s16  }
0x6b: {  	s14 =	sadd.s32 s30, s14;
	s16 =	sshrl.u32 s16, $0x3;
	s15 =	sshll.u32 s31, $0x12  }
0x6c: {  	s14 =	sadd.s32 s16, s14;
	s15 =	sor.u32 $0x80, s15  }
0x6d: {  	[hbm4b:s14+s15] =	stream.strided.scatter [tilespmem:s19], [sflag:$0x2], $0x4000, s7, s15, $0x38;
	[tilespmem:$0x10000] =	vst v63  }
.LBB1_10:
0x6e: {  	_ =	sfence.sel $0x180000  }
0x6f: {  	s2 =	simm.s32 $0x1;
	[bflag:$0x0] =	sbarrier.arrive $0xFFFF  }
0x70: {  	s31 =	simm.s32 $0x2;
	[sflag:s2] =	ssyncpa.u1 $0x1  }
0x71: {  	[sflag:s31] =	ssyncpa.u1 $0x1  }
0x72: {  	p0 =	sne.s32 s1, $0x0;
	_ =	strace $0x9000004A  }
0x73: {  	s0 =	sadd.s32 @!p0 $0x100000, s0;
	[bflag:$0x2] =	sbarrier.arrive $0xFFFF  }
0x74: {  	[sflag:s0] =	ssyncadd.tile.s32 @!p0 $0x1;
	_ =	shalt  }
.Lfunc_end1:
_tile_overlayer_lowered:
.L_overlay_start_2:
0x75: {  	(tag) =	ssettag $0x2  }
0x76: {  	s0 =	rddreg [dreg:$0x0];
	s2 =	stileid.u32  }
0x77: {  	s1 =	rddreg [dreg:$0x1];
	p0 =	sne.s32 s2, $0x0  }
0x78: {  	s3 =	rddreg [dreg:$0x2];
	[bflag:$0x3] =	sbarrier.arrive $0xFFFF;
	s2 =	simm.s32 @!p0 $0x1C01  }
0x79: {  	[timem:s3], [sflag:s2] =	dma.local @!p0 [hbm:s0], s1  }
0x7a: {  	s0 =	simm.s32 @!p0 $0x1  }
0x7b: {  	_ =	swait.ge @!p0 [sflag:s0], s1  }
0x7c: {  	s1 =	ssub.s32 @!p0 $0x0, s1;
	[sflag:s0] =	ssyncset.done @!p0 $0x0  }
0x7d: {  	[sflag:s0] =	ssyncadd.s32 @!p0 s1  }
0x7e: {  	[bflag:$0x3] =	sbarrier.arrive $0xFFFF  }
0x7f: {  	_ =	shalt  }

// kernel: sparse-core-data-format-call.2.cloned.1.call-start
scs
called_computation.2_lowered:
.L_overlay_start_0:
0x0: {  	s2 =	sld [smem:$0x3FD9]  }
0x1: {  	s3 =	sld [smem:$0x3FFE];
	_ =	sdelay $0x1  }
0x2: {  	s1 =	srdreg.scid  }
0x3: {  	s0 =	sand.u32 $0x1, s1  }
0x4: {  	s16 =	sshll.u32 s0, $0xA;
	s2 =	sadd.s32 s3, s2  }
0x5: {  	s2 =	sadd.s32 s2, s16  }
0x6: {  	[smem:$0x3FBC] =	sst s2  }
0x7: {  	_ = 	snop  }
0x8: {  	s2 =	sld [smem:$0x3FD0];
	_ =	sdelay $0x2  }
0x9: {  	s17 =	simm.s32 $0xE;
	s4 =	simm.s32 $0x10  }
0xa: {  	[smem:s4], [sflag:s17] =	dma.local [hbm:s2], $0x1  }
0xb: {  	_ =	swait.eq [sflag:s17], $0x1  }
0xc: {  	[sflag:s17] =	ssyncset.done $0x0  }
0xd: {  	[sflag:s17] =	ssyncadd.s32 $0xFFFFFFFF  }
0xe: {  	s18 =	sld [smem:$0x12];
	(tm) =	ssettm $0x1  }
0xf: {  	s19 =	sld [smem:$0x3FFB];
	_ =	sdelay $0x3  }
0x10: {  	_ =	strace s19  }
0x11: {  	s2 =	sld [smem:$0x3FFC];
	_ =	sdelay $0x3  }
0x12: {  	_ =	strace s2  }
0x13: {  	s2 =	sld [smem:$0x3FFD];
	_ =	sdelay $0x3  }
0x14: {  	_ =	strace s2  }
0x15: {  	_ =	strace $0x8FFFFFFF  }
0x16: {  	s20 =	sld [smem:$0x3FDB];
	_ =	sdelay $0x1  }
0x17: {  	s21 =	simm.s32 $_scs_section_size  }
0x18: {  	s5 =	simm.s32 $_size__tile_overlayer_lowered;
	s6 =	simm.s32 $_tile_overlayer_lowered  }
0x19: {  	s7 =	simm.s32 $0x1BFF;
	s22 =	sshll.u32 s6, $0x1;
	s4 =	sadd.s32 s21, s20  }
0x1a: {  	s23 =	simm.s32 $0x0;
	s5 =	sshll.u32 s5, $0x1;
	s6 =	sadd.s32 s22, s4  }
0x1b: {  	[timem:s23], [sflag:s7] =	dma.local [hbm:s6], s5  }
0x1c: {  	_ =	swait.ge [sflag:s7], s5  }
0x1d: {  	s5 =	ssub.s32 $0x0, s5;
	[sflag:s7] =	ssyncset.done $0x0  }
0x1e: {  	[sflag:s7] =	ssyncadd.s32 s5;
	_ =	sdelay $0x1  }
0x1f: {  	s24 =	simm.s32 $0x1B8B  }
0x20: {  	_ =	swait.ge [sflag:s24], $0x1  }
0x21: {  	[sflag:s24] =	ssyncset.done $0x0  }
0x22: {  	[sflag:s24] =	ssyncadd.s32 $0xFFFFFFFF  }
0x23: {  	s5 =	sld [smem:$0x0]  }
0x24: {  	s6 =	sand.u32 $0xFFFFFFFE, s1  }
0x25: {  	p0 =	sne.s32 s1, s6  }
0x26: {  	s6 =	sshll.u32 @p0 s6, $0xE  }
0x27: {  	s6 =	sadd.s32 @p0 $0x11B8D, s6;
	s7 =	sshll.u32 @p0 s5, $0x11  }
0x28: {  	s6 =	sor.u32 @p0 s7, s6  }
0x29: {  	[sflag:s6] =	ssyncadd.remote.s32 @p0 $0x1;
	_ =	sdelay $0x1  }
0x2a: {  	s6 =	simm.s32 @p0 $0x1B8D  }
0x2b: {  	_ =	swait.eq @p0 [sflag:s6], $0x1  }
0x2c: {  	[sflag:s6] =	ssyncadd.s32 @p0 $0xFFFFFFFF  }
0x2d: {  	s7 =	sshll.u32 @!p0 s1, $0xE  }
0x2e: {  	s7 =	sor.u32 @!p0 $0x4000, s7;
	s6 =	simm.s32 @!p0 $0x1B8D  }
0x2f: {  	s5 =	sshll.u32 @!p0 s5, $0x11;
	s7 =	sadd.s32 @!p0 $0x11B8D, s7;
	_ =	swait.eq @!p0 [sflag:s6], $0x1  }
0x30: {  	s5 =	sor.u32 @!p0 s5, s7;
	[sflag:s6] =	ssyncadd.s32 @!p0 $0xFFFFFFFF  }
0x31: {  	s26 =	simm.s32 $0x1B8E;
	s25 =	sld [smem:$0x3FFE];
	[sflag:s5] =	ssyncadd.remote.s32 @!p0 $0x1  }
0x32: {  	s27 =	simm.s32 $execute0_lowered;
	[smem:$0x3FD2] =	sst s26  }
0x33: {  	s6 =	sshll.u32 s27, $0x1;
	_ =	strace $0x8000004C;
	[dreg:$0x1] =	wrdreg $0xFFFFFFFF  }
0x34: {  	s28 =	simm.s32 $_size_execute0_lowered;
	s4 =	sadd.s32 s4, s6;
	[dreg:$0x0] =	wrdreg $0x0  }
0x35: {  	s6 =	sshll.u32 s28, $0x1;
	[dreg:$0x2] =	wrdreg s4  }
0x36: {  	[dreg:$0x3] =	wrdreg s6  }
0x37: {  	[dreg:$0x4] =	wrdreg $0xC0  }
0x38: {  	_ =	task [dreg:s23], $0x5FFFF  }
0x39: {  	[dreg:$0x1] =	wrdreg $0xFFFFFFFF  }
0x3a: {  	[dreg:$0x0] =	wrdreg $0x60  }
0x3b: {  	[dreg:$0x2] =	wrdreg s25  }
0x3c: {  	[dreg:$0x3] =	wrdreg s18  }
0x3d: {  	[dreg:$0x4] =	wrdreg $0xB  }
0x3e: {  	_ =	task.clear_ibuf [dreg:s23], $0x5FFFF;
	_ =	strace $0x9000004C  }
0x3f: {  	s29 =	simm.s32 $0xB;
	_ =	strace $0x8000004E  }
0x40: {  	_ =	swait.ge [sflag:s29], $0x1  }
0x41: {  	[sflag:s29] =	ssyncadd.s32 $0xFFFFFFFF  }
0x42: {  	_ =	strace $0x9000004E  }
0x43: {  	_ =	sfence  }
0x44: {  	s30 =	sld [smem:$0x0];
	_ =	sdelay $0x2  }
0x45: {  	s31 =	sshll.u32 s1, $0xD;
	s1 =	sshrl.u32 s1, $0x2  }
0x46: {  	s4 =	sand.u32 $0x4000, s31;
	s1 =	sadd.s32 s1, s30  }
0x47: {  	s0 =	sor.u32 s4, s0;
	s1 =	sshll.u32 s1, $0x11  }
0x48: {  	s0 =	sor.u32 s1, s0  }
0x49: {  	s0 =	sadd.s32 $0x8F2B, s0  }
0x4a: {  	[sflag:s0] =	ssyncadd.remote.s32 $0x1  }
0x4b: {  	_ =	sfence.sel $0xFFFF  }
0x4c: {  	[dreg:$0x0] =	wrdreg $0xFFFFFFFF;
	(pc) =	sbr.abs _section_cstart, $3  }
0x4d: {  	[dreg:$0x1] =	wrdreg $0xFFFFFFFF  }
0x4e: {  	_ =	task.clear_ibuf [dreg:s23], $0x2FFFF;
	_ =	strace $0x9FFFFFFF  }
0x4f: {  	(tm) =	ssettm $0x7FFFFFFF  }
tec
execute0_lowered:
.L_overlay_start_1:
0x0: {  	(tag) =	ssettag $0x1  }
0x1: {  	s0 =	stileid.u32  }
0x2: {  	s1 =	srdreg.scid;
	s7 =	rddreg [dreg:$0x0];
	s8 =	simm.s32 $0x2  }
0x3: {  	s20 =	simm.s32 $0x0;
	s9 =	simm.s32 $0x1800;
	s17 =	simm.s32 $0x0  }
0x4: {  	s2 =	sshll.u32 s0, $0x2;
	s3 =	sshll.u32 s0, $0x6;
	s4 =	sshll.u32 s1, $0xA  }
0x5: {  	s22 =	simm.s32 $0x0;
	s1 =	sand.u32 $0x4, s2;
	s29 =	sor.u32 s3, s4  }
0x6: {  	s18 =	simm.s32 $0x0;
	s2 =	sand.u32 $0x780, s29;
	s30 =	ssub.s32 $0x8, s1  }
0x7: {  	s19 =	simm.s32 $0x0;
	s31 =	sshrl.u32 s30, $0x2;
	s5 =	ssub.s32 $0xB80, s2  }
0x8: {  	s3 =	sshrl.u32 s30, $0x3;
	s4 =	sand.u32 $0x1, s31;
	s5 =	sshrl.u32 s5, $0xB  }
0x9: {  	s21 =	simm.s32 $0x0;
	s3 =	sadd.s32 s3, s4;
	s5 =	sadd.s32 $0x1, s5  }
0xa: {  	s10 =	simm.s32 $0x0;
	s11 =	simm.s32 $0x0;
	s6 =	smul.u32 s5, s3  }
.Ltmp0:
0xb: {  	s13 =	simm.s32 $0x0;
	s4 =	rddreg [dreg:$0x1];
	(pc) =	sbr.rel .LBB1_1-.Ltmp0, $4  }
0xc: {  	s14 =	simm.s32 $0x0;
	s16 =	simm.s32 $0x0;
	s3 =	rddreg [dreg:$0x2]  }
0xd: {  	_ =	strace $0x8000004D;
	s5 =	simm.s32 $0x1;
	s6 =	smul.u32 $0x24, s6  }
0xe: {  	s7 =	sadd.s32 $0x2200, s7;
	s15 =	smov.u32 s1;
	[sflag:s5] =	ssyncpa.u1 $0x0  }
0xf: {  	s12 =	smov.u32 s2;
	[sflag:s8] =	ssyncpa.u1 $0x0;
	s8 =	sor.u32 $0x1, s6  }
.LBB1_11:
0x10: {  	s23 =	sadd.s32 $0x800, s12  }
0x11: {  	s17 =	simm.s32 $0x1;
	p1 =	sgt.s32 s23, $0xBF3  }
0x12: {  	s17 =	simm.s32 @!p1 $0x0  }
0x13: {  	s24 =	sadd.s32 s17, s10  }
0x14: {  	s25 =	smov.u32 s11;
	s17 =	sadd.s32 $0x2, s11;
	p2 =	sgt.s32 s24, $0x23  }
0x15: {  	s25 =	smov.u32 @p2 s17  }
0x16: {  	s26 =	smov.u32 s13;
	s17 =	sadd.s32 $0x2, s13;
	p3 =	sgt.s32 s25, $0x1  }
0x17: {  	s27 =	smov.u32 s14;
	p0 =	slt.u32 s16, $0x2;
	s26 =	smov.u32 @p3 s17  }
0x18: {  	s28 =	smov.u32 s15;
	s17 =	sadd.s32 $0x8, s14;
	p4 =	sgt.s32 s26, $0x1  }
0x19: {  	s20 =	smov.u32 s12;
	s22 =	smov.u32 s11;
	s27 =	smov.u32 @p4 s17  }
0x1a: {  	s23 =	smov.u32 @p1 s2;
	s17 =	sadd.s32 $0x8, s15;
	p1 =	sgt.s32 s27, $0x7  }
0x1b: {  	s18 =	smov.u32 s13;
	s19 =	smov.u32 s14;
	s28 =	smov.u32 @p1 s17  }
0x1c: {  	s29 =	simm.s32 @!p0 $0x2;
	s27 =	simm.s32 @p1 $0x0;
	p1 =	sgt.s32 s28, $0x7  }
0x1d: {  	_ =	swait.ge @!p0 [sflag:s29], $0x4000;
	s28 =	smov.u32 @p1 s1;
	p1 =	sne.s32 s16, s8  }
.Ltmp1:
0x1e: {  	s21 =	smov.u32 s15;
	[sflag:s29] =	ssyncset.done @!p0 $0x0;
	(pc) =	sbr.rel @!p1 .LBB1_12-.Ltmp1, $4  }
0x1f: {  	s12 =	smov.u32 s23;
	[sflag:s29] =	ssyncadd.s32 @!p0 $0xFFFFC000;
	s25 =	simm.s32 @p3 $0x0  }
0x20: {  	s24 =	simm.s32 @p2 $0x0;
	s11 =	smov.u32 s25;
	s26 =	simm.s32 @p4 $0x0  }
0x21: {  	s13 =	smov.u32 s26;
	s17 =	smov.u32 s10;
	s10 =	smov.u32 s24  }
0x22: {  	s14 =	smov.u32 s27;
	s16 =	sadd.s32 $0x1, s16;
	s15 =	smov.u32 s28  }
.LBB1_1:
0x23: {  	p0 =	sge.u32 s16, s6  }
0x24: {  	s23 =	sshrl.u32 @!p0 s10, $0x3  }
0x25: {  	s24 =	sshll.u32 @!p0 s12, $0x3;
	s25 =	sshll.u32 @!p0 s10, $0x7;
	s23 =	smul.u32 @!p0 $0x6000, s23  }
0x26: {  	s26 =	sand.u32 @!p0 $0x7F, s12;
	s24 =	sand.u32 @!p0 $0xFFFFFC00, s24;
	s25 =	sand.u32 @!p0 $0x380, s25  }
0x27: {  	s27 =	smul.u32 @!p0 $0x78000, s15;
	s23 =	sadd.s32 @!p0 s23, s24;
	s24 =	sor.u32 @!p0 s26, s25  }
0x28: {  	s24 =	sor.u32 @!p0 s23, s24;
	s23 =	smulhi.u32 @!p0 $0xAAAAAAAB, s23  }
0x29: {  	s29 =	smul.u32 @!p0 $0xF000, s14  }
0x2a: {  	s25 =	smulhi.u32 @!p0 $0xAAAAAAAB, s24;
	s23 =	sshrl.u32 @!p0 s23, $0xB  }
0x2b: {  	s26 =	smulhi.u32 @!p0 $0x6666667, s23  }
0x2c: {  	s31 =	sadd.s32 $0xFFFFFFFF, s16;
	s30 =	smul.u32 @!p0 $0x7800, s13  }
0x2d: {  	s28 =	sxor.u32 @!p0 $0xFFFFFFFF, s16;
	s25 =	sshrl.u32 @!p0 s25, $0xB;
	s26 =	smul.u32 @!p0 $0x28, s26  }
0x2e: {  	s28 =	sshll.u32 @!p0 s28, $0xE;
	s27 =	sadd.s32 @!p0 s7, s27;
	s25 =	smul.u32 @!p0 $0xC00, s25  }
0x2f: {  	s27 =	sadd.s32 @!p0 s29, s27;
	s23 =	ssub.s32 @!p0 s23, s26;
	s26 =	smul.u32 @!p0 $0x3C00, s11  }
0x30: {  	s24 =	ssub.s32 @!p0 s24, s25;
	s25 =	sadd.s32 @!p0 s30, s27;
	s23 =	smul.u32 @!p0 $0x180, s23  }
0x31: {  	s27 =	sand.u32 @!p0 $0x4000, s28;
	s25 =	sadd.s32 @!p0 s26, s25;
	s26 =	sand.u32 @!p0 $0x7, s24  }
0x32: {  	s24 =	sshrl.u32 @!p0 s24, $0x3;
	s23 =	sadd.s32 @!p0 s23, s25;
	s25 =	sshll.u32 @!p0 s26, $0x12  }
0x33: {  	s23 =	sadd.s32 @!p0 s24, s23;
	s24 =	sor.u32 @!p0 $0x80, s25;
	s25 =	simm.s32 @!p0 $0x1E000  }
0x34: {  	[tilespmem:s27], [sflag:$0x1] =	stream.strided.gather @!p0 [hbm4b:s23+s24], $0x4000, s25, s24, $0x38;
	[tilespmem:$0x10000] =	vst v63  }
0x35: {  	p0 =	sge.u32 s31, s6  }
.Ltmp2:
0x36: {  	_ = 	snop;
	(pc) =	sbr.rel @p0 .LBB1_11-.Ltmp2, $1  }
0x37: {  	_ =	sdelay $0x3  }
0x38: {  	_ =	swait.ge [sflag:s5], $0x4000;
	s23 =	sshll.u32 s16, $0xE  }
0x39: {  	[sflag:s5] =	ssyncset.done $0x0;
	s24 =	sand.u32 $0x4000, s23  }
0x3a: {  	s25 =	simm.s32 $0x0;
	[sflag:s5] =	ssyncadd.s32 $0xFFFFC000;
	s23 =	sor.u32 $0x8000, s24  }
.LBB1_3:
0x3b: {  	s26 =	sshll.u32 s25, $0xC;
	s27 =	simm.s32 $0x0  }
.LBB1_4:
0x3c: {  	s28 =	sshll.u32 s27, $0x9  }
0x3d: {  	s29 =	simm.s32 $0x0;
	p1 =	por $0x1, $0x1;
	s28 =	sadd.s32 s26, s28  }
.LBB1_5:
0x3e: {  	s29 =	sor.u32 s28, s29  }
0x3f: {  	s30 =	sadd.s32 s29, s24  }
0x40: {  	v0 =	vmov s30;
	_ =	sdelay $0x1  }
0x41: {  	s29 =	sadd.s32 s29, s23  }
0x42: {  	p0 =	por p1, p1;
	p1 =	por $0x1, $0x1;
	v1 =	vmov s29;
	s29 =	simm.s32 $0x0  }
.LBB1_6:
0x43: {  	s29 =	sshra.s32 s29, $0x2  }
0x44: {  	v2 =	vld.idx.msk [tilespmem:v0+s29+$0x0 ss:$0x1], $0xffff  }
0x45: {  	v3 =	vld.idx.msk [tilespmem:v0+s29+$0x10 ss:$0x1], $0xffff  }
0x46: {  	v4 =	vld.idx.msk [tilespmem:v0+s29+$0x20 ss:$0x1], $0xffff  }
0x47: {  	v5 =	vld.idx.msk [tilespmem:v0+s29+$0x30 ss:$0x1], $0xffff  }
0x48: {  	v6 =	vld.idx.msk [tilespmem:v0+s29+$0x40 ss:$0x1], $0xffff  }
0x49: {  	v63 =	vld.idx.msk [tilespmem:v0+s29+$0x70 ss:$0x1], $0xffff;
	[tilespmem:v1+s29+$0x0 ss:$0x1] =	vst.idx.msk $0xffff, v2  }
0x4a: {  	v2 =	vld.idx.msk [tilespmem:v0+s29+$0x50 ss:$0x1], $0xffff;
	[tilespmem:v1+s29+$0x10 ss:$0x1] =	vst.idx.msk $0xffff, v3  }
0x4b: {  	p2 =	por p1, p1;
	v3 =	vld.idx.msk [tilespmem:v0+s29+$0x60 ss:$0x1], $0xffff;
	[tilespmem:v1+s29+$0x20 ss:$0x1] =	vst.idx.msk $0xffff, v4  }
.Ltmp3:
0x4c: {  	[tilespmem:v1+s29+$0x30 ss:$0x1] =	vst.idx.msk $0xffff, v5;
	(pc) =	sbr.rel @p2 .LBB1_6-.Ltmp3, $4  }
0x4d: {  	[tilespmem:v1+s29+$0x40 ss:$0x1] =	vst.idx.msk $0xffff, v6  }
0x4e: {  	[tilespmem:v1+s29+$0x70 ss:$0x1] =	vst.idx.msk $0xffff, v63  }
0x4f: {  	[tilespmem:v1+s29+$0x50 ss:$0x1] =	vst.idx.msk $0xffff, v2  }
0x50: {  	p1 =	por $0x0, $0x0;
	[tilespmem:v1+s29+$0x60 ss:$0x1] =	vst.idx.msk $0xffff, v3;
	s29 =	simm.s32 $0x200  }
.Ltmp4:
0x51: {  	(pc) =	sbr.rel @p0 .LBB1_5-.Ltmp4, $2  }
0x52: {  	_ =	sdelay $0x2  }
0x53: {  	s29 =	simm.s32 $0x100;
	p1 =	por $0x0, $0x0  }
0x54: {  	s27 =	sadd.s32 $0x1, s27  }
0x55: {  	p0 =	sne.s32 s27, $0x8  }
.Ltmp5:
0x56: {  	_ = 	snop;
	(pc) =	sbr.rel @p0 .LBB1_4-.Ltmp5, $1  }
0x57: {  	_ =	sdelay $0x3  }
0x58: {  	s25 =	sadd.s32 $0x1, s25  }
0x59: {  	p0 =	sne.s32 s25, $0x4  }
.Ltmp6:
0x5a: {  	_ = 	snop;
	(pc) =	sbr.rel @p0 .LBB1_3-.Ltmp6, $1  }
0x5b: {  	_ =	sdelay $0x3  }
0x5c: {  	s24 =	sshrl.u32 s22, $0x1  }
0x5d: {  	s25 =	sshll.u32 s20, $0x1;
	s26 =	sshll.u32 s22, $0x7;
	s24 =	smul.u32 $0x1800, s24  }
0x5e: {  	s27 =	sand.u32 $0x7F, s20;
	s25 =	sand.u32 $0xFFFFFF00, s25;
	s22 =	sand.u32 $0x80, s26  }
0x5f: {  	s21 =	smul.u32 $0x3000, s21;
	s20 =	sor.u32 s22, s27;
	s24 =	sadd.s32 s24, s25  }
0x60: {  	s19 =	smul.u32 $0x600, s19;
	s20 =	sor.u32 s24, s20  }
0x61: {  	s28 =	smulhi.u32 $0xAAAAAAAB, s20  }
0x62: {  	s18 =	smul.u32 $0x300, s18  }
0x63: {  	s24 =	smulhi.u32 $0xAAAAAAAB, s24;
	s22 =	sshrl.u32 s28, $0xB  }
0x64: {  	s21 =	sadd.s32 s4, s21;
	s22 =	smul.u32 $0xC00, s22  }
0x65: {  	s17 =	smul.u32 $0x18000, s17;
	s19 =	sadd.s32 s19, s21;
	s29 =	sshrl.u32 s24, $0xB  }
0x66: {  	s21 =	simm.s32 $0x180;
	s20 =	ssub.s32 s20, s22;
	s22 =	sand.u32 $0x1, s29  }
.Ltmp7:
0x67: {  	s18 =	sadd.s32 s18, s19;
	p0 =	seq.s32 s22, $0x1;
	(pc) =	sbr.rel .LBB1_11-.Ltmp7, $4  }
0x68: {  	s17 =	sadd.s32 s17, s18;
	s30 =	sand.u32 $0x7, s20;
	s21 =	simm.s32 @!p0 $0x0  }
0x69: {  	s31 =	sshrl.u32 s20, $0x3;
	s18 =	sshll.u32 s30, $0x12;
	s17 =	sadd.s32 s21, s17  }
0x6a: {  	s18 =	sor.u32 $0x100, s18;
	s17 =	sadd.s32 s31, s17  }
0x6b: {  	[hbm4b:s17+s18] =	stream.strided.scatter [tilespmem:s23], [sflag:$0x2], $0x4000, s9, s18, $0x38;
	[tilespmem:$0x10000] =	vst v63  }
.LBB1_12:
0x6c: {  	_ =	sfence.sel $0x180000  }
0x6d: {  	s1 =	simm.s32 $0x1;
	[bflag:$0x0] =	sbarrier.arrive $0xFFFF  }
0x6e: {  	s31 =	simm.s32 $0x2;
	[sflag:s1] =	ssyncpa.u1 $0x1  }
0x6f: {  	[sflag:s31] =	ssyncpa.u1 $0x1  }
0x70: {  	p0 =	sne.s32 s0, $0x0;
	_ =	strace $0x9000004D  }
0x71: {  	s0 =	sadd.s32 @!p0 $0x100000, s3;
	[bflag:$0x2] =	sbarrier.arrive $0xFFFF  }
0x72: {  	[sflag:s0] =	ssyncadd.tile.s32 @!p0 $0x1;
	_ =	shalt  }
.Lfunc_end1:
_tile_overlayer_lowered:
.L_overlay_start_2:
0x73: {  	(tag) =	ssettag $0x2  }
0x74: {  	s0 =	rddreg [dreg:$0x0];
	s2 =	stileid.u32  }
0x75: {  	s1 =	rddreg [dreg:$0x1];
	p0 =	sne.s32 s2, $0x0  }
0x76: {  	s3 =	rddreg [dreg:$0x2];
	[bflag:$0x3] =	sbarrier.arrive $0xFFFF;
	s2 =	simm.s32 @!p0 $0x1C01  }
0x77: {  	[timem:s3], [sflag:s2] =	dma.local @!p0 [hbm:s0], s1  }
0x78: {  	s0 =	simm.s32 @!p0 $0x1  }
0x79: {  	_ =	swait.ge @!p0 [sflag:s0], s1  }
0x7a: {  	s1 =	ssub.s32 @!p0 $0x0, s1;
	[sflag:s0] =	ssyncset.done @!p0 $0x0  }
0x7b: {  	[sflag:s0] =	ssyncadd.s32 @!p0 s1  }
0x7c: {  	[bflag:$0x3] =	sbarrier.arrive $0xFFFF  }
0x7d: {  	_ =	shalt  }

// kernel: sparse-core-data-format-call.3.cloned.1.call-start
scs
called_computation.3_lowered:
.L_overlay_start_0:
0x0: {  	s2 =	sld [smem:$0x3FD9]  }
0x1: {  	s3 =	sld [smem:$0x3FFE];
	_ =	sdelay $0x1  }
0x2: {  	s1 =	srdreg.scid  }
0x3: {  	s0 =	sand.u32 $0x1, s1  }
0x4: {  	s16 =	sshll.u32 s0, $0xA;
	s2 =	sadd.s32 s3, s2  }
0x5: {  	s2 =	sadd.s32 s2, s16  }
0x6: {  	[smem:$0x3FBC] =	sst s2  }
0x7: {  	_ = 	snop  }
0x8: {  	s2 =	sld [smem:$0x3FD0];
	_ =	sdelay $0x2  }
0x9: {  	s17 =	simm.s32 $0xE;
	s4 =	simm.s32 $0x10  }
0xa: {  	[smem:s4], [sflag:s17] =	dma.local [hbm:s2], $0x1  }
0xb: {  	_ =	swait.eq [sflag:s17], $0x1  }
0xc: {  	[sflag:s17] =	ssyncset.done $0x0  }
0xd: {  	[sflag:s17] =	ssyncadd.s32 $0xFFFFFFFF  }
0xe: {  	s18 =	sld [smem:$0x11];
	(tm) =	ssettm $0x1  }
0xf: {  	s19 =	sld [smem:$0x3FFB];
	_ =	sdelay $0x3  }
0x10: {  	_ =	strace s19  }
0x11: {  	s2 =	sld [smem:$0x3FFC];
	_ =	sdelay $0x3  }
0x12: {  	_ =	strace s2  }
0x13: {  	s2 =	sld [smem:$0x3FFD];
	_ =	sdelay $0x3  }
0x14: {  	_ =	strace s2  }
0x15: {  	_ =	strace $0x8FFFFFFF  }
0x16: {  	s20 =	sld [smem:$0x3FDB];
	_ =	sdelay $0x1  }
0x17: {  	s21 =	simm.s32 $_scs_section_size  }
0x18: {  	s5 =	simm.s32 $_size__tile_overlayer_lowered;
	s6 =	simm.s32 $_tile_overlayer_lowered  }
0x19: {  	s7 =	simm.s32 $0x1BFF;
	s22 =	sshll.u32 s6, $0x1;
	s4 =	sadd.s32 s21, s20  }
0x1a: {  	s23 =	simm.s32 $0x0;
	s5 =	sshll.u32 s5, $0x1;
	s6 =	sadd.s32 s22, s4  }
0x1b: {  	[timem:s23], [sflag:s7] =	dma.local [hbm:s6], s5  }
0x1c: {  	_ =	swait.ge [sflag:s7], s5  }
0x1d: {  	s5 =	ssub.s32 $0x0, s5;
	[sflag:s7] =	ssyncset.done $0x0  }
0x1e: {  	[sflag:s7] =	ssyncadd.s32 s5;
	_ =	sdelay $0x1  }
0x1f: {  	s24 =	simm.s32 $0x1B8B  }
0x20: {  	_ =	swait.ge [sflag:s24], $0x1  }
0x21: {  	[sflag:s24] =	ssyncset.done $0x0  }
0x22: {  	[sflag:s24] =	ssyncadd.s32 $0xFFFFFFFF  }
0x23: {  	s5 =	sld [smem:$0x0]  }
0x24: {  	s6 =	sand.u32 $0xFFFFFFFE, s1  }
0x25: {  	p0 =	sne.s32 s1, s6  }
0x26: {  	s6 =	sshll.u32 @p0 s6, $0xE  }
0x27: {  	s6 =	sadd.s32 @p0 $0x11B8D, s6;
	s7 =	sshll.u32 @p0 s5, $0x11  }
0x28: {  	s6 =	sor.u32 @p0 s7, s6  }
0x29: {  	[sflag:s6] =	ssyncadd.remote.s32 @p0 $0x1;
	_ =	sdelay $0x1  }
0x2a: {  	s6 =	simm.s32 @p0 $0x1B8D  }
0x2b: {  	_ =	swait.eq @p0 [sflag:s6], $0x1  }
0x2c: {  	[sflag:s6] =	ssyncadd.s32 @p0 $0xFFFFFFFF  }
0x2d: {  	s7 =	sshll.u32 @!p0 s1, $0xE  }
0x2e: {  	s7 =	sor.u32 @!p0 $0x4000, s7;
	s6 =	simm.s32 @!p0 $0x1B8D  }
0x2f: {  	s5 =	sshll.u32 @!p0 s5, $0x11;
	s7 =	sadd.s32 @!p0 $0x11B8D, s7;
	_ =	swait.eq @!p0 [sflag:s6], $0x1  }
0x30: {  	s5 =	sor.u32 @!p0 s5, s7;
	[sflag:s6] =	ssyncadd.s32 @!p0 $0xFFFFFFFF  }
0x31: {  	s26 =	simm.s32 $0x1B8E;
	s25 =	sld [smem:$0x3FFE];
	[sflag:s5] =	ssyncadd.remote.s32 @!p0 $0x1  }
0x32: {  	s27 =	simm.s32 $execute0_lowered;
	[smem:$0x3FD2] =	sst s26  }
0x33: {  	s6 =	sshll.u32 s27, $0x1;
	_ =	strace $0x8000004F;
	[dreg:$0x1] =	wrdreg $0xFFFFFFFF  }
0x34: {  	s28 =	simm.s32 $_size_execute0_lowered;
	s4 =	sadd.s32 s4, s6;
	[dreg:$0x0] =	wrdreg $0x0  }
0x35: {  	s6 =	sshll.u32 s28, $0x1;
	[dreg:$0x2] =	wrdreg s4  }
0x36: {  	[dreg:$0x3] =	wrdreg s6  }
0x37: {  	[dreg:$0x4] =	wrdreg $0xC0  }
0x38: {  	_ =	task [dreg:s23], $0x5FFFF  }
0x39: {  	[dreg:$0x1] =	wrdreg $0xFFFFFFFF  }
0x3a: {  	[dreg:$0x0] =	wrdreg $0x60  }
0x3b: {  	[dreg:$0x2] =	wrdreg s25  }
0x3c: {  	[dreg:$0x3] =	wrdreg s18  }
0x3d: {  	[dreg:$0x4] =	wrdreg $0xC  }
0x3e: {  	_ =	task.clear_ibuf [dreg:s23], $0x5FFFF;
	_ =	strace $0x9000004F  }
0x3f: {  	s29 =	simm.s32 $0xC;
	_ =	strace $0x80000051  }
0x40: {  	_ =	swait.ge [sflag:s29], $0x1  }
0x41: {  	[sflag:s29] =	ssyncadd.s32 $0xFFFFFFFF  }
0x42: {  	_ =	strace $0x90000051  }
0x43: {  	_ =	sfence  }
0x44: {  	s30 =	sld [smem:$0x0];
	_ =	sdelay $0x2  }
0x45: {  	s31 =	sshll.u32 s1, $0xD;
	s1 =	sshrl.u32 s1, $0x2  }
0x46: {  	s4 =	sand.u32 $0x4000, s31;
	s1 =	sadd.s32 s1, s30  }
0x47: {  	s0 =	sor.u32 s4, s0;
	s1 =	sshll.u32 s1, $0x11  }
0x48: {  	s0 =	sor.u32 s1, s0  }
0x49: {  	s0 =	sadd.s32 $0x8F2B, s0  }
0x4a: {  	[sflag:s0] =	ssyncadd.remote.s32 $0x1  }
0x4b: {  	_ =	sfence.sel $0xFFFF  }
0x4c: {  	[dreg:$0x0] =	wrdreg $0xFFFFFFFF;
	(pc) =	sbr.abs _section_cstart, $3  }
0x4d: {  	[dreg:$0x1] =	wrdreg $0xFFFFFFFF  }
0x4e: {  	_ =	task.clear_ibuf [dreg:s23], $0x2FFFF;
	_ =	strace $0x9FFFFFFF  }
0x4f: {  	(tm) =	ssettm $0x7FFFFFFF  }
tec
execute0_lowered:
.L_overlay_start_1:
0x0: {  	(tag) =	ssettag $0x1  }
0x1: {  	s0 =	stileid.u32  }
0x2: {  	s1 =	srdreg.scid;
	s7 =	rddreg [dreg:$0x0];
	s8 =	simm.s32 $0x2  }
0x3: {  	s20 =	simm.s32 $0x0;
	s9 =	simm.s32 $0x1800;
	s17 =	simm.s32 $0x0  }
0x4: {  	s2 =	sshll.u32 s0, $0x2;
	s3 =	sshll.u32 s0, $0x6;
	s4 =	sshll.u32 s1, $0xA  }
0x5: {  	s22 =	simm.s32 $0x0;
	s1 =	sand.u32 $0x4, s2;
	s29 =	sor.u32 s3, s4  }
0x6: {  	s18 =	simm.s32 $0x0;
	s2 =	sand.u32 $0x780, s29;
	s30 =	ssub.s32 $0x8, s1  }
0x7: {  	s19 =	simm.s32 $0x0;
	s31 =	sshrl.u32 s30, $0x2;
	s5 =	ssub.s32 $0xB80, s2  }
0x8: {  	s3 =	sshrl.u32 s30, $0x3;
	s4 =	sand.u32 $0x1, s31;
	s5 =	sshrl.u32 s5, $0xB  }
0x9: {  	s21 =	simm.s32 $0x0;
	s3 =	sadd.s32 s3, s4;
	s5 =	sadd.s32 $0x1, s5  }
0xa: {  	s10 =	simm.s32 $0x0;
	s11 =	simm.s32 $0x0;
	s6 =	smul.u32 s5, s3  }
.Ltmp0:
0xb: {  	s13 =	simm.s32 $0x0;
	s4 =	rddreg [dreg:$0x1];
	(pc) =	sbr.rel .LBB1_1-.Ltmp0, $4  }
0xc: {  	s14 =	simm.s32 $0x0;
	s16 =	simm.s32 $0x0;
	s3 =	rddreg [dreg:$0x2]  }
0xd: {  	_ =	strace $0x80000050;
	s5 =	simm.s32 $0x1;
	s6 =	smul.u32 $0x24, s6  }
0xe: {  	s7 =	sadd.s32 $0xC29C00, s7;
	s15 =	smov.u32 s1;
	[sflag:s5] =	ssyncpa.u1 $0x0  }
0xf: {  	s12 =	smov.u32 s2;
	[sflag:s8] =	ssyncpa.u1 $0x0;
	s8 =	sor.u32 $0x1, s6  }
.LBB1_11:
0x10: {  	s23 =	sadd.s32 $0x800, s12  }
0x11: {  	s17 =	simm.s32 $0x1;
	p1 =	sgt.s32 s23, $0xBF3  }
0x12: {  	s17 =	simm.s32 @!p1 $0x0  }
0x13: {  	s24 =	sadd.s32 s17, s10  }
0x14: {  	s25 =	smov.u32 s11;
	s17 =	sadd.s32 $0x2, s11;
	p2 =	sgt.s32 s24, $0x23  }
0x15: {  	s25 =	smov.u32 @p2 s17  }
0x16: {  	s26 =	smov.u32 s13;
	s17 =	sadd.s32 $0x4, s13;
	p3 =	sgt.s32 s25, $0x1  }
0x17: {  	s27 =	smov.u32 s14;
	p0 =	slt.u32 s16, $0x2;
	s26 =	smov.u32 @p3 s17  }
0x18: {  	s28 =	smov.u32 s15;
	s17 =	sadd.s32 $0x4, s14;
	p4 =	sgt.s32 s26, $0x3  }
0x19: {  	s20 =	smov.u32 s12;
	s22 =	smov.u32 s11;
	s27 =	smov.u32 @p4 s17  }
0x1a: {  	s23 =	smov.u32 @p1 s2;
	s17 =	sadd.s32 $0x8, s15;
	p1 =	sgt.s32 s27, $0x3  }
0x1b: {  	s18 =	smov.u32 s13;
	s19 =	smov.u32 s14;
	s28 =	smov.u32 @p1 s17  }
0x1c: {  	s29 =	simm.s32 @!p0 $0x2;
	s27 =	simm.s32 @p1 $0x0;
	p1 =	sgt.s32 s28, $0x7  }
0x1d: {  	_ =	swait.ge @!p0 [sflag:s29], $0x4000;
	s28 =	smov.u32 @p1 s1;
	p1 =	sne.s32 s16, s8  }
.Ltmp1:
0x1e: {  	s21 =	smov.u32 s15;
	[sflag:s29] =	ssyncset.done @!p0 $0x0;
	(pc) =	sbr.rel @!p1 .LBB1_12-.Ltmp1, $4  }
0x1f: {  	s12 =	smov.u32 s23;
	[sflag:s29] =	ssyncadd.s32 @!p0 $0xFFFFC000;
	s25 =	simm.s32 @p3 $0x0  }
0x20: {  	s24 =	simm.s32 @p2 $0x0;
	s11 =	smov.u32 s25;
	s26 =	simm.s32 @p4 $0x0  }
0x21: {  	s13 =	smov.u32 s26;
	s17 =	smov.u32 s10;
	s10 =	smov.u32 s24  }
0x22: {  	s14 =	smov.u32 s27;
	s16 =	sadd.s32 $0x1, s16;
	s15 =	smov.u32 s28  }
.LBB1_1:
0x23: {  	p0 =	sge.u32 s16, s6  }
0x24: {  	s23 =	sshrl.u32 @!p0 s10, $0x3  }
0x25: {  	s24 =	sshll.u32 @!p0 s12, $0x3;
	s25 =	sshll.u32 @!p0 s10, $0x7;
	s23 =	smul.u32 @!p0 $0x6000, s23  }
0x26: {  	s26 =	sand.u32 @!p0 $0x7F, s12;
	s24 =	sand.u32 @!p0 $0xFFFFFC00, s24;
	s25 =	sand.u32 @!p0 $0x380, s25  }
0x27: {  	s27 =	smul.u32 @!p0 $0x78000, s15;
	s23 =	sadd.s32 @!p0 s23, s24;
	s24 =	sor.u32 @!p0 s26, s25  }
0x28: {  	s24 =	sor.u32 @!p0 s23, s24;
	s23 =	smulhi.u32 @!p0 $0xAAAAAAAB, s23  }
0x29: {  	s29 =	smul.u32 @!p0 $0x1E000, s14  }
0x2a: {  	s25 =	smulhi.u32 @!p0 $0xAAAAAAAB, s24;
	s23 =	sshrl.u32 @!p0 s23, $0xB  }
0x2b: {  	s26 =	smulhi.u32 @!p0 $0x6666667, s23  }
0x2c: {  	s31 =	sadd.s32 $0xFFFFFFFF, s16;
	s30 =	smul.u32 @!p0 $0x7800, s13  }
0x2d: {  	s28 =	sxor.u32 @!p0 $0xFFFFFFFF, s16;
	s25 =	sshrl.u32 @!p0 s25, $0xB;
	s26 =	smul.u32 @!p0 $0x28, s26  }
0x2e: {  	s28 =	sshll.u32 @!p0 s28, $0xE;
	s27 =	sadd.s32 @!p0 s7, s27;
	s25 =	smul.u32 @!p0 $0xC00, s25  }
0x2f: {  	s27 =	sadd.s32 @!p0 s29, s27;
	s23 =	ssub.s32 @!p0 s23, s26;
	s26 =	smul.u32 @!p0 $0x3C00, s11  }
0x30: {  	s24 =	ssub.s32 @!p0 s24, s25;
	s25 =	sadd.s32 @!p0 s30, s27;
	s23 =	smul.u32 @!p0 $0x180, s23  }
0x31: {  	s27 =	sand.u32 @!p0 $0x4000, s28;
	s25 =	sadd.s32 @!p0 s26, s25;
	s26 =	sand.u32 @!p0 $0x7, s24  }
0x32: {  	s24 =	sshrl.u32 @!p0 s24, $0x3;
	s23 =	sadd.s32 @!p0 s23, s25;
	s25 =	sshll.u32 @!p0 s26, $0x12  }
0x33: {  	s23 =	sadd.s32 @!p0 s24, s23;
	s24 =	sor.u32 @!p0 $0x80, s25;
	s25 =	simm.s32 @!p0 $0x1E000  }
0x34: {  	[tilespmem:s27], [sflag:$0x1] =	stream.strided.gather @!p0 [hbm4b:s23+s24], $0x4000, s25, s24, $0x38;
	[tilespmem:$0x10000] =	vst v63  }
0x35: {  	p0 =	sge.u32 s31, s6  }
.Ltmp2:
0x36: {  	_ = 	snop;
	(pc) =	sbr.rel @p0 .LBB1_11-.Ltmp2, $1  }
0x37: {  	_ =	sdelay $0x3  }
0x38: {  	_ =	swait.ge [sflag:s5], $0x4000;
	s23 =	sshll.u32 s16, $0xE  }
0x39: {  	[sflag:s5] =	ssyncset.done $0x0;
	s24 =	sand.u32 $0x4000, s23  }
0x3a: {  	s25 =	simm.s32 $0x0;
	[sflag:s5] =	ssyncadd.s32 $0xFFFFC000;
	s23 =	sor.u32 $0x8000, s24  }
.LBB1_3:
0x3b: {  	s26 =	sshll.u32 s25, $0xC;
	s27 =	simm.s32 $0x0  }
.LBB1_4:
0x3c: {  	s28 =	sshll.u32 s27, $0xA  }
0x3d: {  	s29 =	simm.s32 $0x0;
	s28 =	sadd.s32 s26, s28  }
.LBB1_5:
0x3e: {  	s30 =	sshll.u32 s29, $0x8  }
0x3f: {  	s30 =	sadd.s32 s28, s30  }
0x40: {  	s31 =	sadd.s32 s30, s24  }
0x41: {  	v0 =	vmov s31;
	_ =	sdelay $0x1  }
0x42: {  	s30 =	sadd.s32 s30, s23  }
0x43: {  	p0 =	por $0x1, $0x1;
	v1 =	vmov s30;
	s30 =	simm.s32 $0x0  }
.LBB1_6:
0x44: {  	s30 =	sshra.s32 s30, $0x2  }
0x45: {  	v2 =	vld.idx.msk [tilespmem:v0+s30+$0x0 ss:$0x1], $0xffff  }
0x46: {  	v3 =	vld.idx.msk [tilespmem:v0+s30+$0x10 ss:$0x1], $0xffff  }
0x47: {  	v4 =	vld.idx.msk [tilespmem:v0+s30+$0x20 ss:$0x1], $0xffff  }
0x48: {  	v5 =	vld.idx.msk [tilespmem:v0+s30+$0x30 ss:$0x1], $0xffff  }
0x49: {  	v6 =	vld.idx.msk [tilespmem:v0+s30+$0x40 ss:$0x1], $0xffff  }
0x4a: {  	v63 =	vld.idx.msk [tilespmem:v0+s30+$0x70 ss:$0x1], $0xffff;
	[tilespmem:v1+s30+$0x0 ss:$0x1] =	vst.idx.msk $0xffff, v2  }
0x4b: {  	v2 =	vld.idx.msk [tilespmem:v0+s30+$0x50 ss:$0x1], $0xffff;
	[tilespmem:v1+s30+$0x10 ss:$0x1] =	vst.idx.msk $0xffff, v3  }
0x4c: {  	p1 =	por p0, p0;
	v3 =	vld.idx.msk [tilespmem:v0+s30+$0x60 ss:$0x1], $0xffff;
	[tilespmem:v1+s30+$0x20 ss:$0x1] =	vst.idx.msk $0xffff, v4  }
.Ltmp3:
0x4d: {  	[tilespmem:v1+s30+$0x30 ss:$0x1] =	vst.idx.msk $0xffff, v5;
	(pc) =	sbr.rel @p1 .LBB1_6-.Ltmp3, $4  }
0x4e: {  	[tilespmem:v1+s30+$0x40 ss:$0x1] =	vst.idx.msk $0xffff, v6  }
0x4f: {  	[tilespmem:v1+s30+$0x70 ss:$0x1] =	vst.idx.msk $0xffff, v63  }
0x50: {  	[tilespmem:v1+s30+$0x50 ss:$0x1] =	vst.idx.msk $0xffff, v2  }
0x51: {  	p0 =	por $0x0, $0x0;
	[tilespmem:v1+s30+$0x60 ss:$0x1] =	vst.idx.msk $0xffff, v3;
	s30 =	simm.s32 $0x200  }
0x52: {  	s29 =	sadd.s32 $0x1, s29  }
0x53: {  	p0 =	sne.s32 s29, $0x4  }
.Ltmp4:
0x54: {  	_ = 	snop;
	(pc) =	sbr.rel @p0 .LBB1_5-.Ltmp4, $1  }
0x55: {  	_ =	sdelay $0x3  }
0x56: {  	s27 =	sadd.s32 $0x1, s27  }
0x57: {  	p0 =	sne.s32 s27, $0x4  }
.Ltmp5:
0x58: {  	_ = 	snop;
	(pc) =	sbr.rel @p0 .LBB1_4-.Ltmp5, $1  }
0x59: {  	_ =	sdelay $0x3  }
0x5a: {  	s25 =	sadd.s32 $0x1, s25  }
0x5b: {  	p0 =	sne.s32 s25, $0x4  }
.Ltmp6:
0x5c: {  	_ = 	snop;
	(pc) =	sbr.rel @p0 .LBB1_3-.Ltmp6, $1  }
0x5d: {  	_ =	sdelay $0x3  }
0x5e: {  	s24 =	sshrl.u32 s22, $0x1  }
0x5f: {  	s25 =	sshll.u32 s20, $0x1;
	s26 =	sshll.u32 s22, $0x7;
	s24 =	smul.u32 $0x1800, s24  }
0x60: {  	s27 =	sand.u32 $0x7F, s20;
	s25 =	sand.u32 $0xFFFFFF00, s25;
	s22 =	sand.u32 $0x80, s26  }
0x61: {  	s21 =	smul.u32 $0x3000, s21;
	s20 =	sor.u32 s22, s27;
	s24 =	sadd.s32 s24, s25  }
0x62: {  	s19 =	smul.u32 $0xC00, s19;
	s20 =	sor.u32 s24, s20  }
0x63: {  	s28 =	smulhi.u32 $0xAAAAAAAB, s20  }
0x64: {  	s18 =	smul.u32 $0x300, s18  }
0x65: {  	s24 =	smulhi.u32 $0xAAAAAAAB, s24;
	s22 =	sshrl.u32 s28, $0xB  }
0x66: {  	s21 =	sadd.s32 s4, s21;
	s22 =	smul.u32 $0xC00, s22  }
0x67: {  	s17 =	smul.u32 $0x18000, s17;
	s19 =	sadd.s32 s19, s21;
	s29 =	sshrl.u32 s24, $0xB  }
0x68: {  	s21 =	simm.s32 $0x180;
	s20 =	ssub.s32 s20, s22;
	s22 =	sand.u32 $0x1, s29  }
.Ltmp7:
0x69: {  	s18 =	sadd.s32 s18, s19;
	p0 =	seq.s32 s22, $0x1;
	(pc) =	sbr.rel .LBB1_11-.Ltmp7, $4  }
0x6a: {  	s17 =	sadd.s32 s17, s18;
	s30 =	sand.u32 $0x7, s20;
	s21 =	simm.s32 @!p0 $0x0  }
0x6b: {  	s31 =	sshrl.u32 s20, $0x3;
	s18 =	sshll.u32 s30, $0x12;
	s17 =	sadd.s32 s21, s17  }
0x6c: {  	s18 =	sor.u32 $0x100, s18;
	s17 =	sadd.s32 s31, s17  }
0x6d: {  	[hbm4b:s17+s18] =	stream.strided.scatter [tilespmem:s23], [sflag:$0x2], $0x4000, s9, s18, $0x38;
	[tilespmem:$0x10000] =	vst v63  }
.LBB1_12:
0x6e: {  	_ =	sfence.sel $0x180000  }
0x6f: {  	s1 =	simm.s32 $0x1;
	[bflag:$0x0] =	sbarrier.arrive $0xFFFF  }
0x70: {  	s31 =	simm.s32 $0x2;
	[sflag:s1] =	ssyncpa.u1 $0x1  }
0x71: {  	[sflag:s31] =	ssyncpa.u1 $0x1  }
0x72: {  	p0 =	sne.s32 s0, $0x0;
	_ =	strace $0x90000050  }
0x73: {  	s0 =	sadd.s32 @!p0 $0x100000, s3;
	[bflag:$0x2] =	sbarrier.arrive $0xFFFF  }
0x74: {  	[sflag:s0] =	ssyncadd.tile.s32 @!p0 $0x1;
	_ =	shalt  }
.Lfunc_end1:
_tile_overlayer_lowered:
.L_overlay_start_2:
0x75: {  	(tag) =	ssettag $0x2  }
0x76: {  	s0 =	rddreg [dreg:$0x0];
	s2 =	stileid.u32  }
0x77: {  	s1 =	rddreg [dreg:$0x1];
	p0 =	sne.s32 s2, $0x0  }
0x78: {  	s3 =	rddreg [dreg:$0x2];
	[bflag:$0x3] =	sbarrier.arrive $0xFFFF;
	s2 =	simm.s32 @!p0 $0x1C01  }
0x79: {  	[timem:s3], [sflag:s2] =	dma.local @!p0 [hbm:s0], s1  }
0x7a: {  	s0 =	simm.s32 @!p0 $0x1  }
0x7b: {  	_ =	swait.ge @!p0 [sflag:s0], s1  }
0x7c: {  	s1 =	ssub.s32 @!p0 $0x0, s1;
	[sflag:s0] =	ssyncset.done @!p0 $0x0  }
0x7d: {  	[sflag:s0] =	ssyncadd.s32 @!p0 s1  }
0x7e: {  	[bflag:$0x3] =	sbarrier.arrive $0xFFFF  }
0x7f: {  	_ =	shalt  }

// kernel: sparse-core-data-format-call.4.cloned.1.call-start
scs
called_computation.4_lowered:
.L_overlay_start_0:
0x0: {  	s2 =	sld [smem:$0x3FD9]  }
0x1: {  	s3 =	sld [smem:$0x3FFE];
	_ =	sdelay $0x1  }
0x2: {  	s1 =	srdreg.scid  }
0x3: {  	s0 =	sand.u32 $0x1, s1  }
0x4: {  	s16 =	sshll.u32 s0, $0xA;
	s2 =	sadd.s32 s3, s2  }
0x5: {  	s2 =	sadd.s32 s2, s16  }
0x6: {  	[smem:$0x3FBC] =	sst s2  }
0x7: {  	_ = 	snop  }
0x8: {  	s2 =	sld [smem:$0x3FD0];
	_ =	sdelay $0x2  }
0x9: {  	s17 =	simm.s32 $0xE;
	s4 =	simm.s32 $0x10  }
0xa: {  	[smem:s4], [sflag:s17] =	dma.local [hbm:s2], $0x1  }
0xb: {  	_ =	swait.eq [sflag:s17], $0x1  }
0xc: {  	[sflag:s17] =	ssyncset.done $0x0  }
0xd: {  	[sflag:s17] =	ssyncadd.s32 $0xFFFFFFFF  }
0xe: {  	s18 =	sld [smem:$0x10];
	(tm) =	ssettm $0x1  }
0xf: {  	s19 =	sld [smem:$0x3FFB];
	_ =	sdelay $0x3  }
0x10: {  	_ =	strace s19  }
0x11: {  	s2 =	sld [smem:$0x3FFC];
	_ =	sdelay $0x3  }
0x12: {  	_ =	strace s2  }
0x13: {  	s2 =	sld [smem:$0x3FFD];
	_ =	sdelay $0x3  }
0x14: {  	_ =	strace s2  }
0x15: {  	_ =	strace $0x8FFFFFFF  }
0x16: {  	s20 =	sld [smem:$0x3FDB];
	_ =	sdelay $0x1  }
0x17: {  	s21 =	simm.s32 $_scs_section_size  }
0x18: {  	s5 =	simm.s32 $_size__tile_overlayer_lowered;
	s6 =	simm.s32 $_tile_overlayer_lowered  }
0x19: {  	s7 =	simm.s32 $0x1BFF;
	s22 =	sshll.u32 s6, $0x1;
	s4 =	sadd.s32 s21, s20  }
0x1a: {  	s23 =	simm.s32 $0x0;
	s5 =	sshll.u32 s5, $0x1;
	s6 =	sadd.s32 s22, s4  }
0x1b: {  	[timem:s23], [sflag:s7] =	dma.local [hbm:s6], s5  }
0x1c: {  	_ =	swait.ge [sflag:s7], s5  }
0x1d: {  	s5 =	ssub.s32 $0x0, s5;
	[sflag:s7] =	ssyncset.done $0x0  }
0x1e: {  	[sflag:s7] =	ssyncadd.s32 s5;
	_ =	sdelay $0x1  }
0x1f: {  	s24 =	simm.s32 $0x1B8B  }
0x20: {  	_ =	swait.ge [sflag:s24], $0x1  }
0x21: {  	[sflag:s24] =	ssyncset.done $0x0  }
0x22: {  	[sflag:s24] =	ssyncadd.s32 $0xFFFFFFFF  }
0x23: {  	s5 =	sld [smem:$0x0]  }
0x24: {  	s6 =	sand.u32 $0xFFFFFFFE, s1  }
0x25: {  	p0 =	sne.s32 s1, s6  }
0x26: {  	s6 =	sshll.u32 @p0 s6, $0xE  }
0x27: {  	s6 =	sadd.s32 @p0 $0x11B8D, s6;
	s7 =	sshll.u32 @p0 s5, $0x11  }
0x28: {  	s6 =	sor.u32 @p0 s7, s6  }
0x29: {  	[sflag:s6] =	ssyncadd.remote.s32 @p0 $0x1;
	_ =	sdelay $0x1  }
0x2a: {  	s6 =	simm.s32 @p0 $0x1B8D  }
0x2b: {  	_ =	swait.eq @p0 [sflag:s6], $0x1  }
0x2c: {  	[sflag:s6] =	ssyncadd.s32 @p0 $0xFFFFFFFF  }
0x2d: {  	s7 =	sshll.u32 @!p0 s1, $0xE  }
0x2e: {  	s7 =	sor.u32 @!p0 $0x4000, s7;
	s6 =	simm.s32 @!p0 $0x1B8D  }
0x2f: {  	s5 =	sshll.u32 @!p0 s5, $0x11;
	s7 =	sadd.s32 @!p0 $0x11B8D, s7;
	_ =	swait.eq @!p0 [sflag:s6], $0x1  }
0x30: {  	s5 =	sor.u32 @!p0 s5, s7;
	[sflag:s6] =	ssyncadd.s32 @!p0 $0xFFFFFFFF  }
0x31: {  	s26 =	simm.s32 $0x1B8E;
	s25 =	sld [smem:$0x3FFE];
	[sflag:s5] =	ssyncadd.remote.s32 @!p0 $0x1  }
0x32: {  	s27 =	simm.s32 $execute0_lowered;
	[smem:$0x3FD2] =	sst s26  }
0x33: {  	s6 =	sshll.u32 s27, $0x1;
	_ =	strace $0x80000052;
	[dreg:$0x1] =	wrdreg $0xFFFFFFFF  }
0x34: {  	s28 =	simm.s32 $_size_execute0_lowered;
	s4 =	sadd.s32 s4, s6;
	[dreg:$0x0] =	wrdreg $0x0  }
0x35: {  	s6 =	sshll.u32 s28, $0x1;
	[dreg:$0x2] =	wrdreg s4  }
0x36: {  	[dreg:$0x3] =	wrdreg s6  }
0x37: {  	[dreg:$0x4] =	wrdreg $0xC0  }
0x38: {  	_ =	task [dreg:s23], $0x5FFFF  }
0x39: {  	[dreg:$0x1] =	wrdreg $0xFFFFFFFF  }
0x3a: {  	[dreg:$0x0] =	wrdreg $0x60  }
0x3b: {  	[dreg:$0x2] =	wrdreg s25  }
0x3c: {  	[dreg:$0x3] =	wrdreg s18  }
0x3d: {  	[dreg:$0x4] =	wrdreg $0xD  }
0x3e: {  	_ =	task.clear_ibuf [dreg:s23], $0x5FFFF;
	_ =	strace $0x90000052  }
0x3f: {  	s29 =	simm.s32 $0xD;
	_ =	strace $0x80000054  }
0x40: {  	_ =	swait.ge [sflag:s29], $0x1  }
0x41: {  	[sflag:s29] =	ssyncadd.s32 $0xFFFFFFFF  }
0x42: {  	_ =	strace $0x90000054  }
0x43: {  	_ =	sfence  }
0x44: {  	s30 =	sld [smem:$0x0];
	_ =	sdelay $0x2  }
0x45: {  	s31 =	sshll.u32 s1, $0xD;
	s1 =	sshrl.u32 s1, $0x2  }
0x46: {  	s4 =	sand.u32 $0x4000, s31;
	s1 =	sadd.s32 s1, s30  }
0x47: {  	s0 =	sor.u32 s4, s0;
	s1 =	sshll.u32 s1, $0x11  }
0x48: {  	s0 =	sor.u32 s1, s0  }
0x49: {  	s0 =	sadd.s32 $0x8F2B, s0  }
0x4a: {  	[sflag:s0] =	ssyncadd.remote.s32 $0x1  }
0x4b: {  	_ =	sfence.sel $0xFFFF  }
0x4c: {  	[dreg:$0x0] =	wrdreg $0xFFFFFFFF;
	(pc) =	sbr.abs _section_cstart, $3  }
0x4d: {  	[dreg:$0x1] =	wrdreg $0xFFFFFFFF  }
0x4e: {  	_ =	task.clear_ibuf [dreg:s23], $0x2FFFF;
	_ =	strace $0x9FFFFFFF  }
0x4f: {  	(tm) =	ssettm $0x7FFFFFFF  }
tec
execute0_lowered:
.L_overlay_start_1:
0x0: {  	(tag) =	ssettag $0x1  }
0x1: {  	s0 =	stileid.u32  }
0x2: {  	s1 =	srdreg.scid;
	s7 =	rddreg [dreg:$0x0];
	s8 =	simm.s32 $0x2  }
0x3: {  	s2 =	sshll.u32 s0, $0x2;
	s3 =	sshll.u32 s0, $0x6;
	s4 =	sshll.u32 s1, $0xA  }
0x4: {  	s18 =	simm.s32 $0x0;
	s1 =	sand.u32 $0x4, s2;
	s29 =	sor.u32 s3, s4  }
0x5: {  	s9 =	simm.s32 $0x6000;
	s2 =	sand.u32 $0x780, s29;
	s30 =	ssub.s32 $0x8, s1  }
0x6: {  	s10 =	simm.s32 $0x0;
	s31 =	sshrl.u32 s30, $0x2;
	s5 =	ssub.s32 $0xB80, s2  }
0x7: {  	s3 =	sshrl.u32 s30, $0x3;
	s4 =	sand.u32 $0x1, s31;
	s5 =	sshrl.u32 s5, $0xB  }
0x8: {  	s16 =	simm.s32 $0x0;
	s3 =	sadd.s32 s3, s4;
	s5 =	sadd.s32 $0x1, s5  }
0x9: {  	s19 =	simm.s32 $0x0;
	s17 =	simm.s32 $0x0;
	s6 =	smul.u32 s5, s3  }
.Ltmp0:
0xa: {  	s12 =	simm.s32 $0x0;
	s4 =	rddreg [dreg:$0x1];
	(pc) =	sbr.rel .LBB1_1-.Ltmp0, $4  }
0xb: {  	s13 =	simm.s32 $0x0;
	s15 =	simm.s32 $0x0;
	s3 =	rddreg [dreg:$0x2]  }
0xc: {  	_ =	strace $0x80000053;
	s5 =	simm.s32 $0x1;
	s6 =	smul.u32 $0x24, s6  }
0xd: {  	s7 =	sadd.s32 $0x3C2200, s7;
	s14 =	smov.u32 s1;
	[sflag:s5] =	ssyncpa.u1 $0x0  }
0xe: {  	s11 =	smov.u32 s2;
	[sflag:s8] =	ssyncpa.u1 $0x0;
	s8 =	sor.u32 $0x1, s6  }
.LBB1_7:
0xf: {  	s20 =	sadd.s32 $0x800, s11  }
0x10: {  	s16 =	simm.s32 $0x1;
	p1 =	sgt.s32 s20, $0xBF3  }
0x11: {  	s16 =	simm.s32 @!p1 $0x0  }
0x12: {  	s21 =	sadd.s32 s16, s12  }
0x13: {  	s22 =	smov.u32 s13;
	s16 =	sadd.s32 $0x20, s13;
	p2 =	sgt.s32 s21, $0x23  }
0x14: {  	s22 =	smov.u32 @p2 s16  }
0x15: {  	s23 =	smov.u32 s14;
	s16 =	sadd.s32 $0x8, s14;
	p3 =	sgt.s32 s22, $0x1F  }
0x16: {  	p0 =	slt.u32 s15, $0x2;
	s23 =	smov.u32 @p3 s16  }
0x17: {  	s18 =	smov.u32 s11;
	s20 =	smov.u32 @p1 s2;
	p1 =	sgt.s32 s23, $0x7  }
0x18: {  	s24 =	simm.s32 @!p0 $0x2;
	s23 =	smov.u32 @p1 s1;
	p1 =	sne.s32 s15, s8  }
.Ltmp1:
0x19: {  	s19 =	smov.u32 s13;
	_ =	swait.ge @!p0 [sflag:s24], $0x4000;
	(pc) =	sbr.rel @!p1 .LBB1_8-.Ltmp1, $4  }
0x1a: {  	s17 =	smov.u32 s14;
	s10 =	sadd.s32 $0x4000, s10;
	[sflag:s24] =	ssyncset.done @!p0 $0x0  }
0x1b: {  	s11 =	smov.u32 s20;
	[sflag:s24] =	ssyncadd.s32 @!p0 $0xFFFFC000;
	s21 =	simm.s32 @p2 $0x0  }
0x1c: {  	s22 =	simm.s32 @p3 $0x0;
	s16 =	smov.u32 s12;
	s12 =	smov.u32 s21  }
0x1d: {  	s13 =	smov.u32 s22;
	s15 =	sadd.s32 $0x1, s15;
	s14 =	smov.u32 s23  }
.LBB1_1:
0x1e: {  	p0 =	sge.u32 s15, s6  }
0x1f: {  	s20 =	sshrl.u32 @!p0 s12, $0x3  }
0x20: {  	s21 =	sshll.u32 @!p0 s11, $0x3;
	s22 =	sshll.u32 @!p0 s12, $0x7;
	s20 =	smul.u32 @!p0 $0x6000, s20  }
0x21: {  	s23 =	sand.u32 @!p0 $0x7F, s11;
	s21 =	sand.u32 @!p0 $0xFFFFFC00, s21;
	s22 =	sand.u32 @!p0 $0x380, s22  }
0x22: {  	s20 =	sadd.s32 @!p0 s20, s21;
	s21 =	sor.u32 @!p0 s23, s22  }
0x23: {  	s21 =	sor.u32 @!p0 s20, s21;
	s20 =	smulhi.u32 @!p0 $0xAAAAAAAB, s20;
	_ =	sdelay $0x1  }
0x24: {  	s22 =	smulhi.u32 @!p0 $0xAAAAAAAB, s21;
	s20 =	sshrl.u32 @!p0 s20, $0xB  }
0x25: {  	s23 =	smulhi.u32 @!p0 $0x6666667, s20  }
0x26: {  	s25 =	smul.u32 @!p0 $0x78000, s14  }
0x27: {  	s22 =	sshrl.u32 @!p0 s22, $0xB;
	s23 =	smul.u32 @!p0 $0x28, s23  }
0x28: {  	s31 =	sadd.s32 $0xFFFFFFFF, s15;
	s24 =	sxor.u32 @!p0 $0xFFFFFFFF, s15;
	s22 =	smul.u32 @!p0 $0xC00, s22  }
0x29: {  	s24 =	sshll.u32 @!p0 s24, $0xE;
	s20 =	ssub.s32 @!p0 s20, s23;
	s23 =	smul.u32 @!p0 $0x3C00, s13  }
0x2a: {  	s21 =	ssub.s32 @!p0 s21, s22;
	s22 =	sadd.s32 @!p0 s7, s25;
	s20 =	smul.u32 @!p0 $0x180, s20  }
0x2b: {  	s24 =	sand.u32 @!p0 $0x4000, s24;
	s22 =	sadd.s32 @!p0 s23, s22;
	s23 =	sand.u32 @!p0 $0x7, s21  }
0x2c: {  	s21 =	sshrl.u32 @!p0 s21, $0x3;
	s20 =	sadd.s32 @!p0 s20, s22;
	s22 =	sshll.u32 @!p0 s23, $0x12  }
0x2d: {  	s20 =	sadd.s32 @!p0 s21, s20;
	s21 =	sor.u32 @!p0 $0x80, s22;
	s22 =	simm.s32 @!p0 $0x1E000  }
0x2e: {  	[tilespmem:s24], [sflag:$0x1] =	stream.strided.gather @!p0 [hbm4b:s20+s21], $0x4000, s22, s21, $0x38;
	[tilespmem:$0x10000] =	vst v63  }
0x2f: {  	p0 =	sge.u32 s31, s6  }
.Ltmp2:
0x30: {  	_ = 	snop;
	(pc) =	sbr.rel @p0 .LBB1_7-.Ltmp2, $1  }
0x31: {  	_ =	sdelay $0x3  }
0x32: {  	s21 =	sand.u32 $0x4000, s10;
	_ =	swait.ge [sflag:s5], $0x4000;
	s20 =	sshll.u32 s15, $0xE  }
0x33: {  	s23 =	simm.s32 $0x0;
	[sflag:s5] =	ssyncset.done $0x0;
	s20 =	sand.u32 $0x4000, s20  }
0x34: {  	s22 =	sor.u32 $0x8040, s21;
	[sflag:s5] =	ssyncadd.s32 $0xFFFFC000;
	s20 =	sor.u32 $0x8000, s20  }
.LBB1_3:
0x35: {  	v1 =	vmov s21;
	_ =	sdelay $0x3  }
0x36: {  	s24 =	simm.s32 $0x0  }
0x37: {  	v7 =	vld.idx.msk [tilespmem:v1+s24+$0x70 ss:$0x1], $0xffff  }
0x38: {  	v0 =	vmov s22;
	v8 =	vld.idx.msk [tilespmem:v1+s24+$0x0 ss:$0x1], $0xffff  }
0x39: {  	v6 =	vld.idx.msk [tilespmem:v1+s24+$0x10 ss:$0x1], $0xffff  }
0x3a: {  	v5 =	vld.idx.msk [tilespmem:v1+s24+$0x20 ss:$0x1], $0xffff  }
0x3b: {  	v4 =	vld.idx.msk [tilespmem:v1+s24+$0x30 ss:$0x1], $0xffff  }
0x3c: {  	v2 =	vld.idx.msk [tilespmem:v1+s24+$0x40 ss:$0x1], $0xffff  }
0x3d: {  	v3 =	vld.idx.msk [tilespmem:v1+s24+$0x50 ss:$0x1], $0xffff;
	[tilespmem:v0+s24+$0x30 ss:$0x1] =	vst.idx.msk $0xffff, v7  }
0x3e: {  	s25 =	simm.s32 $0x80;
	s26 =	simm.s32 $0x400;
	[tilespmem:v0+s24+$0xFFFFFFC0 ss:$0x1] =	vst.idx.msk $0xffff, v8;
	v7 =	vld.idx.msk [tilespmem:v1+s24+$0x60 ss:$0x1], $0xffff  }
.LBB1_4:
0x3f: {  	p0 =	sne.s32 s26, $0x3E00;
	v8 =	vld.idx.msk [tilespmem:v1+s25+$0x70 ss:$0x1], $0xffff;
	[tilespmem:v0+s24+$0xFFFFFFD0 ss:$0x1] =	vst.idx.msk $0xffff, v6  }
0x40: {  	v9 =	vld.idx.msk [tilespmem:v1+s25+$0x0 ss:$0x1], $0xffff;
	[tilespmem:v0+s24+$0xFFFFFFE0 ss:$0x1] =	vst.idx.msk $0xffff, v5  }
0x41: {  	v6 =	vld.idx.msk [tilespmem:v1+s25+$0x10 ss:$0x1], $0xffff;
	[tilespmem:v0+s24+$0xFFFFFFF0 ss:$0x1] =	vst.idx.msk $0xffff, v4  }
.Ltmp3:
0x42: {  	v5 =	vld.idx.msk [tilespmem:v1+s25+$0x20 ss:$0x1], $0xffff;
	[tilespmem:v0+s24+$0x0 ss:$0x1] =	vst.idx.msk $0xffff, v2;
	(pc) =	sbr.rel @p0 .LBB1_4-.Ltmp3, $4  }
0x43: {  	v4 =	vld.idx.msk [tilespmem:v1+s25+$0x30 ss:$0x1], $0xffff;
	[tilespmem:v0+s24+$0x10 ss:$0x1] =	vst.idx.msk $0xffff, v3  }
0x44: {  	v2 =	vld.idx.msk [tilespmem:v1+s25+$0x40 ss:$0x1], $0xffff;
	[tilespmem:v0+s24+$0x20 ss:$0x1] =	vst.idx.msk $0xffff, v7;
	s24 =	smov.u32 s25  }
0x45: {  	v3 =	vld.idx.msk [tilespmem:v1+s24+$0x50 ss:$0x1], $0xffff;
	[tilespmem:v0+s24+$0x30 ss:$0x1] =	vst.idx.msk $0xffff, v8  }
0x46: {  	s25 =	sshra.s32 s26, $0x2;
	s26 =	sadd.s32 $0x200, s26;
	[tilespmem:v0+s24+$0xFFFFFFC0 ss:$0x1] =	vst.idx.msk $0xffff, v9;
	v7 =	vld.idx.msk [tilespmem:v1+s24+$0x60 ss:$0x1], $0xffff  }
0x47: {  	_ =	sdelay $0x3  }
0x48: {  	[tilespmem:v0+s24+$0xFFFFFFD0 ss:$0x1] =	vst.idx.msk $0xffff, v6  }
0x49: {  	v56 =	vld.idx.msk [tilespmem:v1+s25+$0x70 ss:$0x1], $0xffff;
	[tilespmem:v0+s24+$0xFFFFFFE0 ss:$0x1] =	vst.idx.msk $0xffff, v5  }
0x4a: {  	v57 =	vld.idx.msk [tilespmem:v1+s25+$0x0 ss:$0x1], $0xffff;
	[tilespmem:v0+s24+$0xFFFFFFF0 ss:$0x1] =	vst.idx.msk $0xffff, v4  }
0x4b: {  	v58 =	vld.idx.msk [tilespmem:v1+s25+$0x10 ss:$0x1], $0xffff;
	[tilespmem:v0+s24+$0x0 ss:$0x1] =	vst.idx.msk $0xffff, v2  }
0x4c: {  	v59 =	vld.idx.msk [tilespmem:v1+s25+$0x20 ss:$0x1], $0xffff;
	[tilespmem:v0+s24+$0x10 ss:$0x1] =	vst.idx.msk $0xffff, v3  }
0x4d: {  	v60 =	vld.idx.msk [tilespmem:v1+s25+$0x30 ss:$0x1], $0xffff;
	[tilespmem:v0+s24+$0x20 ss:$0x1] =	vst.idx.msk $0xffff, v7  }
0x4e: {  	v61 =	vld.idx.msk [tilespmem:v1+s25+$0x40 ss:$0x1], $0xffff;
	[tilespmem:v0+s25+$0x30 ss:$0x1] =	vst.idx.msk $0xffff, v56  }
0x4f: {  	v62 =	vld.idx.msk [tilespmem:v1+s25+$0x50 ss:$0x1], $0xffff;
	s23 =	sadd.s32 $0x1, s23;
	[tilespmem:v0+s25+$0xFFFFFFC0 ss:$0x1] =	vst.idx.msk $0xffff, v57  }
0x50: {  	v63 =	vld.idx.msk [tilespmem:v1+s25+$0x60 ss:$0x1], $0xffff;
	p0 =	sne.s32 s23, $0x4;
	[tilespmem:v0+s25+$0xFFFFFFD0 ss:$0x1] =	vst.idx.msk $0xffff, v58  }
.Ltmp4:
0x51: {  	[tilespmem:v0+s25+$0xFFFFFFE0 ss:$0x1] =	vst.idx.msk $0xffff, v59;
	(pc) =	sbr.rel @p0 .LBB1_3-.Ltmp4, $4  }
0x52: {  	[tilespmem:v0+s25+$0xFFFFFFF0 ss:$0x1] =	vst.idx.msk $0xffff, v60  }
0x53: {  	[tilespmem:v0+s25+$0x0 ss:$0x1] =	vst.idx.msk $0xffff, v61  }
0x54: {  	[tilespmem:v0+s25+$0x10 ss:$0x1] =	vst.idx.msk $0xffff, v62  }
0x55: {  	s21 =	sadd.s32 $0x1000, s21;
	s22 =	sadd.s32 $0x1000, s22;
	[tilespmem:v0+s25+$0x20 ss:$0x1] =	vst.idx.msk $0xffff, v63  }
0x56: {  	s21 =	sshrl.u32 s19, $0x3  }
0x57: {  	s22 =	sshll.u32 s18, $0x3;
	s27 =	sshll.u32 s19, $0x7;
	s21 =	smul.u32 $0x6000, s21  }
0x58: {  	s28 =	sand.u32 $0x7F, s18;
	s22 =	sand.u32 $0xFFFFFC00, s22;
	s19 =	sand.u32 $0x380, s27  }
0x59: {  	s18 =	sor.u32 s19, s28;
	s21 =	sadd.s32 s21, s22  }
0x5a: {  	s18 =	sor.u32 s21, s18;
	s21 =	smulhi.u32 $0xAAAAAAAB, s21  }
0x5b: {  	s29 =	smulhi.u32 $0xAAAAAAAB, s18  }
0x5c: {  	s17 =	smul.u32 $0x3000, s17  }
0x5d: {  	s16 =	smul.u32 $0x18000, s16;
	s21 =	sshrl.u32 s21, $0xB;
	s19 =	sshrl.u32 s29, $0xB  }
0x5e: {  	s21 =	sand.u32 $0x1F, s21;
	s19 =	smul.u32 $0xC00, s19  }
0x5f: {  	s30 =	smul.u32 $0x180, s21  }
.Ltmp5:
0x60: {  	s17 =	sadd.s32 s4, s17;
	s18 =	ssub.s32 s18, s19;
	(pc) =	sbr.rel .LBB1_7-.Ltmp5, $4  }
0x61: {  	s16 =	sadd.s32 s16, s17;
	s31 =	sand.u32 $0x7, s18  }
0x62: {  	s16 =	sadd.s32 s30, s16;
	s18 =	sshrl.u32 s18, $0x3;
	s17 =	sshll.u32 s31, $0x12  }
0x63: {  	s16 =	sadd.s32 s18, s16;
	s17 =	sor.u32 $0x400, s17  }
0x64: {  	[hbm4b:s16+s17] =	stream.strided.scatter [tilespmem:s20], [sflag:$0x2], $0x4000, s9, s17, $0x38;
	[tilespmem:$0x10000] =	vst v63  }
.LBB1_8:
0x65: {  	_ =	sfence.sel $0x180000  }
0x66: {  	s1 =	simm.s32 $0x1;
	[bflag:$0x0] =	sbarrier.arrive $0xFFFF  }
0x67: {  	s31 =	simm.s32 $0x2;
	[sflag:s1] =	ssyncpa.u1 $0x1  }
0x68: {  	[sflag:s31] =	ssyncpa.u1 $0x1  }
0x69: {  	p0 =	sne.s32 s0, $0x0;
	_ =	strace $0x90000053  }
0x6a: {  	s0 =	sadd.s32 @!p0 $0x100000, s3;
	[bflag:$0x2] =	sbarrier.arrive $0xFFFF  }
0x6b: {  	[sflag:s0] =	ssyncadd.tile.s32 @!p0 $0x1;
	_ =	shalt  }
.Lfunc_end1:
_tile_overlayer_lowered:
.L_overlay_start_2:
0x6c: {  	(tag) =	ssettag $0x2  }
0x6d: {  	s0 =	rddreg [dreg:$0x0];
	s2 =	stileid.u32  }
0x6e: {  	s1 =	rddreg [dreg:$0x1];
	p0 =	sne.s32 s2, $0x0  }
0x6f: {  	s3 =	rddreg [dreg:$0x2];
	[bflag:$0x3] =	sbarrier.arrive $0xFFFF;
	s2 =	simm.s32 @!p0 $0x1C01  }
0x70: {  	[timem:s3], [sflag:s2] =	dma.local @!p0 [hbm:s0], s1  }
0x71: {  	s0 =	simm.s32 @!p0 $0x1  }
0x72: {  	_ =	swait.ge @!p0 [sflag:s0], s1  }
0x73: {  	s1 =	ssub.s32 @!p0 $0x0, s1;
	[sflag:s0] =	ssyncset.done @!p0 $0x0  }
0x74: {  	[sflag:s0] =	ssyncadd.s32 @!p0 s1  }
0x75: {  	[bflag:$0x3] =	sbarrier.arrive $0xFFFF  }
0x76: {  	_ =	shalt  }

// kernel: sparse-core-data-format-call.cloned.1.call-start
scs
called_computation_lowered:
.L_overlay_start_0:
0x0: {  	s2 =	sld [smem:$0x3FD9]  }
0x1: {  	s3 =	sld [smem:$0x3FFE];
	_ =	sdelay $0x1  }
0x2: {  	s1 =	srdreg.scid  }
0x3: {  	s0 =	sand.u32 $0x1, s1  }
0x4: {  	s15 =	sshll.u32 s0, $0xA;
	s2 =	sadd.s32 s3, s2  }
0x5: {  	s2 =	sadd.s32 s2, s15  }
0x6: {  	[smem:$0x3FBC] =	sst s2  }
0x7: {  	_ = 	snop  }
0x8: {  	s2 =	sld [smem:$0x3FD0];
	_ =	sdelay $0x2  }
0x9: {  	s16 =	simm.s32 $0xE;
	s4 =	simm.s32 $0x10  }
0xa: {  	[smem:s4], [sflag:s16] =	dma.local [hbm:s2], $0x1  }
0xb: {  	_ =	swait.eq [sflag:s16], $0x1  }
0xc: {  	[sflag:s16] =	ssyncset.done $0x0  }
0xd: {  	[sflag:s16] =	ssyncadd.s32 $0xFFFFFFFF  }
0xe: {  	s17 =	sld [smem:$0x14];
	(tm) =	ssettm $0x1  }
0xf: {  	s18 =	sld [smem:$0x3FFB];
	_ =	sdelay $0x3  }
0x10: {  	_ =	strace s18  }
0x11: {  	s3 =	sld [smem:$0x3FFC];
	_ =	sdelay $0x3  }
0x12: {  	_ =	strace s3  }
0x13: {  	s3 =	sld [smem:$0x3FFD];
	_ =	sdelay $0x3  }
0x14: {  	_ =	strace s3  }
0x15: {  	_ =	strace $0x8FFFFFFF  }
0x16: {  	s19 =	sld [smem:$0x3FDB];
	_ =	sdelay $0x1  }
0x17: {  	s20 =	simm.s32 $_scs_section_size  }
0x18: {  	s5 =	simm.s32 $_size__tile_overlayer_lowered;
	s6 =	simm.s32 $_tile_overlayer_lowered  }
0x19: {  	s23 =	simm.s32 $0x1BFF;
	s22 =	sshll.u32 s6, $0x1;
	s3 =	sadd.s32 s20, s19  }
0x1a: {  	s7 =	simm.s32 $0x0;
	s21 =	sshll.u32 s5, $0x1;
	s5 =	sadd.s32 s22, s3  }
0x1b: {  	[timem:s7], [sflag:s23] =	dma.local [hbm:s5], s21  }
0x1c: {  	_ =	swait.ge [sflag:s23], s21  }
0x1d: {  	s4 =	ssub.s32 $0x0, s21;
	[sflag:s23] =	ssyncset.done $0x0  }
0x1e: {  	[sflag:s23] =	ssyncadd.s32 s4;
	_ =	sdelay $0x1  }
0x1f: {  	s24 =	simm.s32 $0x1B8B  }
0x20: {  	_ =	swait.ge [sflag:s24], $0x1  }
0x21: {  	[sflag:s24] =	ssyncset.done $0x0  }
0x22: {  	s26 =	simm.s32 $0x1B8E;
	s25 =	sld [smem:$0x3FFE];
	[sflag:s24] =	ssyncadd.s32 $0xFFFFFFFF  }
0x23: {  	s27 =	simm.s32 $execute0_lowered;
	[smem:$0x3FD2] =	sst s26  }
0x24: {  	s5 =	sshll.u32 s27, $0x1;
	_ =	strace $0x80000046;
	[dreg:$0x1] =	wrdreg $0xFFFFFFFF  }
0x25: {  	s28 =	simm.s32 $_size_execute0_lowered;
	s3 =	sadd.s32 s3, s5;
	[dreg:$0x0] =	wrdreg $0x0  }
0x26: {  	s5 =	sshll.u32 s28, $0x1;
	[dreg:$0x2] =	wrdreg s3  }
0x27: {  	[dreg:$0x3] =	wrdreg s5  }
0x28: {  	[dreg:$0x4] =	wrdreg $0xC0  }
0x29: {  	_ =	task [dreg:s7], $0x5FFFF  }
0x2a: {  	[dreg:$0x1] =	wrdreg $0xFFFFFFFF  }
0x2b: {  	[dreg:$0x0] =	wrdreg $0x60  }
0x2c: {  	[dreg:$0x2] =	wrdreg s25  }
0x2d: {  	[dreg:$0x3] =	wrdreg s17  }
0x2e: {  	[dreg:$0x4] =	wrdreg $0x9  }
0x2f: {  	_ =	task.clear_ibuf [dreg:s7], $0x5FFFF;
	_ =	strace $0x90000046  }
0x30: {  	s29 =	simm.s32 $0x9;
	_ =	strace $0x80000048  }
0x31: {  	_ =	swait.ge [sflag:s29], $0x1  }
0x32: {  	[sflag:s29] =	ssyncadd.s32 $0xFFFFFFFF  }
0x33: {  	_ =	strace $0x90000048  }
0x34: {  	_ =	sfence  }
0x35: {  	s30 =	sld [smem:$0x0];
	_ =	sdelay $0x2  }
0x36: {  	s31 =	sshll.u32 s1, $0xD;
	s1 =	sshrl.u32 s1, $0x2  }
0x37: {  	s3 =	sand.u32 $0x4000, s31;
	s1 =	sadd.s32 s1, s30  }
0x38: {  	s0 =	sor.u32 s3, s0;
	s1 =	sshll.u32 s1, $0x11  }
0x39: {  	s0 =	sor.u32 s1, s0  }
0x3a: {  	s0 =	sadd.s32 $0x8F2B, s0  }
0x3b: {  	[sflag:s0] =	ssyncadd.remote.s32 $0x1  }
0x3c: {  	_ =	sfence.sel $0xFFFF  }
0x3d: {  	[dreg:$0x0] =	wrdreg $0xFFFFFFFF;
	(pc) =	sbr.abs _section_cstart, $3  }
0x3e: {  	[dreg:$0x1] =	wrdreg $0xFFFFFFFF  }
0x3f: {  	_ =	task.clear_ibuf [dreg:s7], $0x2FFFF;
	_ =	strace $0x9FFFFFFF  }
0x40: {  	(tm) =	ssettm $0x7FFFFFFF  }
0x41: {  	_ =	shalt  }
tec
execute0_lowered:
.L_overlay_start_1:
0x0: {  	(tag) =	ssettag $0x1  }
0x1: {  	s0 =	stileid.u32  }
0x2: {  	s1 =	srdreg.scid;
	s7 =	rddreg [dreg:$0x0]  }
0x3: {  	s8 =	simm.s32 $0x2;
	s2 =	sshll.u32 s0, $0x6;
	s1 =	sshll.u32 s1, $0xA  }
0x4: {  	s19 =	simm.s32 $0x0;
	s9 =	simm.s32 $0x1800;
	s2 =	sor.u32 s2, s1  }
0x5: {  	s16 =	simm.s32 $0x0;
	s1 =	sand.u32 $0x1, s0;
	s2 =	sand.u32 $0x780, s2  }
0x6: {  	s20 =	simm.s32 $0x0;
	s3 =	ssub.s32 $0x2, s1;
	s4 =	ssub.s32 $0xB80, s2  }
0x7: {  	s5 =	sshrl.u32 s3, $0x1;
	s3 =	sand.u32 $0x1, s3;
	s4 =	sshrl.u32 s4, $0xB  }
0x8: {  	s17 =	simm.s32 $0x0;
	s3 =	sadd.s32 s3, s5;
	s31 =	sadd.s32 $0x1, s4  }
0x9: {  	s18 =	simm.s32 $0x0;
	s10 =	simm.s32 $0x0;
	s6 =	smul.u32 s31, s3  }
.Ltmp0:
0xa: {  	s13 =	simm.s32 $0x0;
	s14 =	simm.s32 $0x0;
	(pc) =	sbr.rel .LBB1_1-.Ltmp0, $4  }
0xb: {  	s15 =	simm.s32 $0x0;
	s5 =	simm.s32 $0x1;
	s4 =	rddreg [dreg:$0x1]  }
0xc: {  	s3 =	rddreg [dreg:$0x2];
	_ =	strace $0x80000047;
	s6 =	smul.u32 $0x12, s6  }
0xd: {  	s7 =	sadd.s32 $0x869C00, s7;
	s12 =	smov.u32 s1;
	[sflag:s5] =	ssyncpa.u1 $0x0  }
0xe: {  	s11 =	smov.u32 s2;
	[sflag:s8] =	ssyncpa.u1 $0x0;
	s8 =	sor.u32 $0x1, s6  }
.LBB1_9:
0xf: {  	s21 =	sadd.s32 $0x800, s11  }
0x10: {  	s16 =	sadd.s32 $0x2, s10;
	s22 =	smov.u32 s10;
	p1 =	sgt.s32 s21, $0xBF3  }
0x11: {  	s22 =	smov.u32 @p1 s16  }
0x12: {  	s23 =	smov.u32 s12;
	s16 =	sadd.s32 $0x2, s12;
	p2 =	sgt.s32 s22, $0x23  }
0x13: {  	s23 =	smov.u32 @p2 s16  }
0x14: {  	s24 =	smov.u32 s13;
	s16 =	sadd.s32 $0x8, s13;
	p3 =	sgt.s32 s23, $0x1  }
0x15: {  	p0 =	slt.u32 s15, $0x2;
	s24 =	smov.u32 @p3 s16  }
0x16: {  	s25 =	smov.u32 s14;
	s16 =	sadd.s32 $0x8, s14;
	p4 =	sgt.s32 s24, $0x7  }
0x17: {  	s19 =	smov.u32 s11;
	s20 =	smov.u32 s12;
	s25 =	smov.u32 @p4 s16  }
0x18: {  	s17 =	smov.u32 s13;
	s21 =	smov.u32 @p1 s2;
	p1 =	sgt.s32 s25, $0x7  }
0x19: {  	s26 =	simm.s32 @!p0 $0x2;
	s25 =	simm.s32 @p1 $0x0;
	p1 =	sne.s32 s15, s8  }
.Ltmp1:
0x1a: {  	s18 =	smov.u32 s14;
	_ =	swait.ge @!p0 [sflag:s26], $0x4000;
	(pc) =	sbr.rel @!p1 .LBB1_10-.Ltmp1, $4  }
0x1b: {  	[sflag:s26] =	ssyncset.done @!p0 $0x0;
	s11 =	smov.u32 s21;
	s23 =	smov.u32 @p3 s1  }
0x1c: {  	s22 =	simm.s32 @p2 $0x0;
	[sflag:s26] =	ssyncadd.s32 @!p0 $0xFFFFC000;
	s12 =	smov.u32 s23  }
0x1d: {  	s24 =	simm.s32 @p4 $0x0;
	s16 =	smov.u32 s10;
	s10 =	smov.u32 s22  }
0x1e: {  	s13 =	smov.u32 s24;
	s15 =	sadd.s32 $0x1, s15;
	s14 =	smov.u32 s25  }
.LBB1_1:
0x1f: {  	p0 =	sge.u32 s15, s6  }
0x20: {  	s21 =	sshrl.u32 @!p0 s10, $0x3  }
0x21: {  	s22 =	sshll.u32 @!p0 s11, $0x3;
	s23 =	sshll.u32 @!p0 s10, $0x7;
	s21 =	smul.u32 @!p0 $0x6000, s21  }
0x22: {  	s24 =	sand.u32 @!p0 $0x7F, s11;
	s22 =	sand.u32 @!p0 $0xFFFFFC00, s22;
	s23 =	sand.u32 @!p0 $0x380, s23  }
0x23: {  	s21 =	sadd.s32 @!p0 s21, s22;
	s22 =	sor.u32 @!p0 s24, s23  }
0x24: {  	s22 =	sor.u32 @!p0 s21, s22;
	s21 =	smulhi.u32 @!p0 $0xAAAAAAAB, s21  }
0x25: {  	s26 =	smul.u32 @!p0 $0x3C000, s14  }
0x26: {  	s23 =	smulhi.u32 @!p0 $0xAAAAAAAB, s22;
	s21 =	sshrl.u32 @!p0 s21, $0xB  }
0x27: {  	s24 =	smulhi.u32 @!p0 $0x6666667, s21  }
0x28: {  	s27 =	smul.u32 @!p0 $0x7800, s13  }
0x29: {  	s25 =	sxor.u32 @!p0 $0xFFFFFFFF, s15;
	s23 =	sshrl.u32 @!p0 s23, $0xB;
	s24 =	smul.u32 @!p0 $0x28, s24  }
0x2a: {  	s31 =	sadd.s32 $0xFFFFFFFF, s15;
	s25 =	sshll.u32 @!p0 s25, $0xE;
	s23 =	smul.u32 @!p0 $0xC00, s23  }
0x2b: {  	s26 =	sadd.s32 @!p0 s7, s26;
	s21 =	ssub.s32 @!p0 s21, s24;
	s24 =	smul.u32 @!p0 $0x3C00, s12  }
0x2c: {  	s22 =	ssub.s32 @!p0 s22, s23;
	s23 =	sadd.s32 @!p0 s27, s26;
	s21 =	smul.u32 @!p0 $0x180, s21  }
0x2d: {  	s25 =	sand.u32 @!p0 $0x4000, s25;
	s23 =	sadd.s32 @!p0 s24, s23;
	s24 =	sand.u32 @!p0 $0x7, s22  }
0x2e: {  	s22 =	sshrl.u32 @!p0 s22, $0x3;
	s21 =	sadd.s32 @!p0 s21, s23;
	s23 =	sshll.u32 @!p0 s24, $0x12  }
0x2f: {  	s21 =	sadd.s32 @!p0 s22, s21;
	s22 =	sor.u32 @!p0 $0x100, s23;
	s23 =	simm.s32 @!p0 $0x3C000  }
0x30: {  	[tilespmem:s25], [sflag:$0x1] =	stream.strided.gather @!p0 [hbm4b:s21+s22], $0x4000, s23, s22, $0x38;
	[tilespmem:$0x10000] =	vst v63  }
0x31: {  	p0 =	sge.u32 s31, s6  }
.Ltmp2:
0x32: {  	_ = 	snop;
	(pc) =	sbr.rel @p0 .LBB1_9-.Ltmp2, $1  }
0x33: {  	_ =	sdelay $0x3  }
0x34: {  	_ =	swait.ge [sflag:s5], $0x4000;
	s21 =	sshll.u32 s15, $0xE  }
0x35: {  	[sflag:s5] =	ssyncset.done $0x0;
	s22 =	sand.u32 $0x4000, s21  }
0x36: {  	s23 =	simm.s32 $0x0;
	[sflag:s5] =	ssyncadd.s32 $0xFFFFC000;
	s21 =	sor.u32 $0x8000, s22  }
.LBB1_3:
0x37: {  	s24 =	sshll.u32 s23, $0xB;
	s25 =	sshll.u32 s23, $0xA  }
0x38: {  	s24 =	sand.u32 $0x3FFFF800, s24;
	s25 =	sand.u32 $0x3FFFFC00, s25  }
0x39: {  	s26 =	simm.s32 $0x0;
	s24 =	sadd.s32 s24, s22;
	s25 =	sadd.s32 s25, s21  }
.LBB1_4:
0x3a: {  	s27 =	sshll.u32 s26, $0x8  }
0x3b: {  	s27 =	sand.u32 $0x3FFFFF00, s27  }
0x3c: {  	s28 =	sshll.u32 s26, $0x7;
	s29 =	sadd.s32 s27, s24  }
0x3d: {  	s28 =	sand.u32 $0x3FFFFF80, s28;
	v0 =	vmov s29  }
0x3e: {  	s28 =	sadd.s32 s28, s25  }
0x3f: {  	p0 =	por $0x1, $0x1;
	s27 =	simm.s32 $0x0;
	v1 =	vmov s28  }
.LBB1_5:
0x40: {  	s28 =	sshll.u32 s27, $0x7  }
0x41: {  	s28 =	sand.u32 $0x3FFFFF80, s28  }
0x42: {  	v2 =	vld.idx.msk [tilespmem:v0+s28+$0x0 ss:$0x1], $0xffff  }
0x43: {  	v3 =	vld.idx.msk [tilespmem:v0+s28+$0x10 ss:$0x1], $0xffff  }
0x44: {  	v4 =	vld.idx.msk [tilespmem:v0+s28+$0x20 ss:$0x1], $0xffff  }
0x45: {  	s27 =	sshll.u32 s27, $0xD;
	v5 =	vld.idx.msk [tilespmem:v0+s28+$0x30 ss:$0x1], $0xffff  }
0x46: {  	s27 =	sand.u32 $0x3FFFE000, s27;
	v6 =	vld.idx.msk [tilespmem:v0+s28+$0x40 ss:$0x1], $0xffff  }
0x47: {  	v63 =	vld.idx.msk [tilespmem:v0+s28+$0x70 ss:$0x1], $0xffff;
	[tilespmem:v1+s27+$0x0 ss:$0x1] =	vst.idx.msk $0xffff, v2  }
0x48: {  	v2 =	vld.idx.msk [tilespmem:v0+s28+$0x50 ss:$0x1], $0xffff;
	[tilespmem:v1+s27+$0x10 ss:$0x1] =	vst.idx.msk $0xffff, v3  }
0x49: {  	p1 =	por p0, p0;
	v3 =	vld.idx.msk [tilespmem:v0+s28+$0x60 ss:$0x1], $0xffff;
	[tilespmem:v1+s27+$0x20 ss:$0x1] =	vst.idx.msk $0xffff, v4  }
.Ltmp3:
0x4a: {  	[tilespmem:v1+s27+$0x30 ss:$0x1] =	vst.idx.msk $0xffff, v5;
	(pc) =	sbr.rel @p1 .LBB1_5-.Ltmp3, $4  }
0x4b: {  	[tilespmem:v1+s27+$0x40 ss:$0x1] =	vst.idx.msk $0xffff, v6  }
0x4c: {  	[tilespmem:v1+s27+$0x70 ss:$0x1] =	vst.idx.msk $0xffff, v63  }
0x4d: {  	[tilespmem:v1+s27+$0x50 ss:$0x1] =	vst.idx.msk $0xffff, v2  }
0x4e: {  	p0 =	por $0x0, $0x0;
	[tilespmem:v1+s27+$0x60 ss:$0x1] =	vst.idx.msk $0xffff, v3;
	s27 =	simm.s32 $0x1  }
0x4f: {  	s26 =	sadd.s32 $0x1, s26  }
0x50: {  	p0 =	sne.s32 s26, $0x8  }
.Ltmp4:
0x51: {  	_ = 	snop;
	(pc) =	sbr.rel @p0 .LBB1_4-.Ltmp4, $1  }
0x52: {  	_ =	sdelay $0x3  }
0x53: {  	s23 =	sadd.s32 $0x1, s23  }
0x54: {  	p0 =	sne.s32 s23, $0x8  }
.Ltmp5:
0x55: {  	_ = 	snop;
	(pc) =	sbr.rel @p0 .LBB1_3-.Ltmp5, $1  }
0x56: {  	_ =	sdelay $0x3  }
0x57: {  	s22 =	sshrl.u32 s20, $0x1  }
0x58: {  	s23 =	sshll.u32 s19, $0x1;
	s26 =	sshll.u32 s20, $0x7;
	s22 =	smul.u32 $0x1800, s22  }
0x59: {  	s27 =	sand.u32 $0x7F, s19;
	s23 =	sand.u32 $0xFFFFFF00, s23;
	s20 =	sand.u32 $0x80, s26  }
0x5a: {  	s19 =	sor.u32 s20, s27;
	s22 =	sadd.s32 s22, s23  }
0x5b: {  	s18 =	smul.u32 $0x1800, s18;
	s19 =	sor.u32 s22, s19  }
0x5c: {  	s28 =	smulhi.u32 $0xAAAAAAAB, s19  }
0x5d: {  	s17 =	smul.u32 $0x300, s17  }
0x5e: {  	s22 =	smulhi.u32 $0xAAAAAAAB, s22;
	s20 =	sshrl.u32 s28, $0xB  }
0x5f: {  	s20 =	smul.u32 $0xC00, s20  }
0x60: {  	s16 =	smul.u32 $0xC000, s16;
	s18 =	sadd.s32 s4, s18;
	s29 =	sshrl.u32 s22, $0xB  }
0x61: {  	s17 =	sadd.s32 s17, s18;
	s19 =	ssub.s32 s19, s20;
	s20 =	sand.u32 $0x1, s29  }
.Ltmp6:
0x62: {  	p0 =	seq.s32 s20, $0x1;
	s20 =	simm.s32 $0x180;
	(pc) =	sbr.rel .LBB1_9-.Ltmp6, $4  }
0x63: {  	s16 =	sadd.s32 s16, s17;
	s30 =	sand.u32 $0x7, s19;
	s20 =	simm.s32 @!p0 $0x0  }
0x64: {  	s31 =	sshrl.u32 s19, $0x3;
	s17 =	sshll.u32 s30, $0x12;
	s16 =	sadd.s32 s20, s16  }
0x65: {  	s17 =	sor.u32 $0x80, s17;
	s16 =	sadd.s32 s31, s16  }
0x66: {  	[hbm4b:s16+s17] =	stream.strided.scatter [tilespmem:s21], [sflag:$0x2], $0x4000, s9, s17, $0x38;
	[tilespmem:$0x10000] =	vst v63  }
.LBB1_10:
0x67: {  	_ =	sfence.sel $0x180000  }
0x68: {  	s1 =	simm.s32 $0x1;
	[bflag:$0x0] =	sbarrier.arrive $0xFFFF  }
0x69: {  	s31 =	simm.s32 $0x2;
	[sflag:s1] =	ssyncpa.u1 $0x1  }
0x6a: {  	[sflag:s31] =	ssyncpa.u1 $0x1  }
0x6b: {  	p0 =	sne.s32 s0, $0x0;
	_ =	strace $0x90000047  }
0x6c: {  	s0 =	sadd.s32 @!p0 $0x100000, s3;
	[bflag:$0x2] =	sbarrier.arrive $0xFFFF  }
0x6d: {  	[sflag:s0] =	ssyncadd.tile.s32 @!p0 $0x1;
	_ =	shalt  }
.Lfunc_end1:
_tile_overlayer_lowered:
.L_overlay_start_2:
0x6e: {  	(tag) =	ssettag $0x2  }
0x6f: {  	s0 =	rddreg [dreg:$0x0];
	s2 =	stileid.u32  }
0x70: {  	s1 =	rddreg [dreg:$0x1];
	p0 =	sne.s32 s2, $0x0  }
0x71: {  	s3 =	rddreg [dreg:$0x2];
	[bflag:$0x3] =	sbarrier.arrive $0xFFFF;
	s2 =	simm.s32 @!p0 $0x1C01  }
0x72: {  	[timem:s3], [sflag:s2] =	dma.local @!p0 [hbm:s0], s1  }
0x73: {  	s0 =	simm.s32 @!p0 $0x1  }
0x74: {  	_ =	swait.ge @!p0 [sflag:s0], s1  }
0x75: {  	s1 =	ssub.s32 @!p0 $0x0, s1;
	[sflag:s0] =	ssyncset.done @!p0 $0x0  }
0x76: {  	[sflag:s0] =	ssyncadd.s32 @!p0 s1  }
0x77: {  	[bflag:$0x3] =	sbarrier.arrive $0xFFFF  }
0x78: {  	_ =	shalt  }

</sc_bundles>
